<compile_context>
chip_gen: v7x
topology: tpu7x:2x2x1
jax: 0.10.2.dev20260603
libtpu: 0.0.44.dev20260713+nightly
codegen_flags: <defaults>
</compile_context>

<pallas_src>
import functools

import jax
import jax.numpy as jnp
from jax import lax
from jax.experimental import pallas as pl
from jax.experimental.pallas import tpu as pltpu
from jax.experimental.pallas import tpu_sc as plsc

ROWS = 64
COLS = 32768
LANES = 16
UNROLL = 8
SC_ROWS = 32
TC_ROWS = ROWS - SC_ROWS
TC_BLOCK_ROWS = 8
SEG_BOUNDS = (0, 16384, 30720, 32768)
NSEGS = len(SEG_BOUNDS) - 1

_mesh = plsc.VectorSubcoreMesh(core_axis_name="c", subcore_axis_name="s")


def _shuffle(x, perm):
    return x.at[perm].get(mode="promise_in_bounds")


def _row_argmin(row_ref, lane, copies):
    minvs = tuple(jnp.full((LANES,), jnp.inf, jnp.float32) for _ in range(UNROLL))
    minis = tuple(jnp.zeros((LANES,), jnp.int32) for _ in range(UNROLL))

    for seg in range(NSEGS):
        copies[seg].wait()
        iter_base = SEG_BOUNDS[seg] // (UNROLL * LANES)
        iter_end = SEG_BOUNDS[seg + 1] // (UNROLL * LANES)

        def body(i, carry, _iter_base=iter_base):
            mvs, mis = carry
            i_abs = i + _iter_base
            base = i_abs * (UNROLL * LANES)
            ivec = jnp.full((LANES,), 0, jnp.int32) + i_abs
            nv, ni = [], []
            for u in range(UNROLL):
                v = row_ref[pl.ds(base + u * LANES, LANES)]
                lt = v < mvs[u]
                nv.append(jnp.where(lt, v, mvs[u]))
                ni.append(jnp.where(lt, ivec, mis[u]))
            return tuple(nv), tuple(ni)

        minvs, minis = lax.fori_loop(0, iter_end - iter_base, body, (minvs, minis))

    mv = minvs[0]
    mi = minis[0] * (UNROLL * LANES) + lane
    for u in range(1, UNROLL):
        idx_u = minis[u] * (UNROLL * LANES) + (lane + u * LANES)
        better = (minvs[u] < mv) | ((minvs[u] == mv) & (idx_u < mi))
        mv = jnp.where(better, minvs[u], mv)
        mi = jnp.where(better, idx_u, mi)

    for off in (8, 4, 2, 1):
        perm = lane ^ off
        mv2 = _shuffle(mv, perm)
        mi2 = _shuffle(mi, perm)
        better = (mv2 < mv) | ((mv2 == mv) & (mi2 < mi))
        mv = jnp.where(better, mv2, mv)
        mi = jnp.where(better, mi2, mi)
    return mi


@functools.partial(
    pl.kernel,
    out_type=jax.ShapeDtypeStruct((SC_ROWS, LANES), jnp.float32),
    mesh=_mesh,
    scratch_types=[
        pltpu.VMEM((COLS,), jnp.float32),
        pltpu.VMEM((LANES,), jnp.float32),
    ]
    + [pltpu.SemaphoreType.DMA] * NSEGS,
)
def _argmin_sc(in_hbm, out_hbm, row_v, out_v, *sems):
    c = lax.axis_index("c")
    s = lax.axis_index("s")
    wid = s * 2 + c
    lane = lax.iota(jnp.int32, LANES)

    copies = []
    for seg in range(NSEGS):
        lo, hi = SEG_BOUNDS[seg], SEG_BOUNDS[seg + 1]
        copies.append(
            pltpu.async_copy(
                in_hbm.at[wid, pl.ds(lo, hi - lo)],
                row_v.at[pl.ds(lo, hi - lo)],
                sems[seg],
            )
        )

    b = _row_argmin(row_v, lane, copies)
    outvec = jnp.where(lane == 0, b.astype(jnp.float32), jnp.float32(0.0))
    out_v[...] = outvec
    pltpu.sync_copy(out_v, out_hbm.at[wid])


def _tc_body(x_ref, o_ref):
    v = x_ref[...]
    m = jnp.min(v, axis=1, keepdims=True)
    iota = lax.broadcasted_iota(jnp.int32, v.shape, 1)
    idx = jnp.where(v == m, iota, jnp.int32(COLS))
    a = jnp.min(idx, axis=1, keepdims=True)
    o_ref[...] = a.astype(jnp.float32)


_argmin_tc = pl.pallas_call(
    _tc_body,
    out_shape=jax.ShapeDtypeStruct((TC_ROWS, 1), jnp.float32),
    grid=(TC_ROWS // TC_BLOCK_ROWS,),
    in_specs=[
        pl.BlockSpec(
            (TC_BLOCK_ROWS, COLS),
            lambda i: (i + SC_ROWS // TC_BLOCK_ROWS, 0),
        )
    ],
    out_specs=pl.BlockSpec((TC_BLOCK_ROWS, 1), lambda i: (i, 0)),
)


def kernel(inputs):
    top = _argmin_sc(inputs)[:, :1]
    bot = _argmin_tc(inputs)
    return jnp.concatenate([top, bot], axis=0)

# --- scband reference (transcript-rebuilt; emitter-appended) ---
"""Pipeline reference for scband-arg-min-layer-66597762892631 (READ-ONLY COPY).

The authoritative reference and input builder live on the scoring server;
editing this copy changes nothing except your own understanding.
"""

import jax, jax.numpy as jnp
import numpy as np

def setup_inputs(seed: int = 0) -> dict:
    key = jax.random.key(seed)
    inputs = jax.random.normal(key, (64, 32768), dtype=jnp.float32)
    return {"inputs": inputs}

def reference(inputs):
    # ArgMinLayer: argmin over axis=1, keepdims=True, cast to float32
    argmin = jnp.argmin(inputs, axis=1)
    argmin = jnp.expand_dims(argmin, 1)
    return argmin.astype(jnp.float32)

if __name__ == "__main__":
    import jax
    _d = setup_inputs()
    print(jax.jit(kernel)(*tuple(_d.values())))

</pallas_src>

<mosaic_0001>
#map = affine_map<(d0, d1) -> (0, 0)>
module attributes {stable_mosaic.version = 14 : i64} {
  func.func @_argmin_sc(%arg0: i32, %arg1: i32, %arg2: memref<64x32768xf32, #tpu.memory_space<hbm>>, %arg3: memref<32x16xf32, #tpu.memory_space<hbm>>, %arg4: memref<32768xf32, #tpu.memory_space<vmem>>, %arg5: memref<16xf32, #tpu.memory_space<vmem>>, %arg6: memref<!tpu.dma_semaphore, #tpu.memory_space<semaphore_mem>>, %arg7: memref<!tpu.dma_semaphore, #tpu.memory_space<semaphore_mem>>, %arg8: memref<!tpu.dma_semaphore, #tpu.memory_space<semaphore_mem>>) attributes {dimension_semantics = [#tpu.dimension_semantics<core_parallel>, #tpu.dimension_semantics<subcore_parallel>], iteration_bounds = array<i64: 2, 16>, scalar_prefetch = 0 : i64, scratch_operands = 5 : i64, tpu.core_type = #tpu.core_type<sc_vector_subcore>, window_params = [{transform_indices = #map}, {transform_indices = #map}]} {
    %mul3A = arith.constant 2 : i32
    %mul3A_0 = arith.muli %arg1, %mul3A : i32
    %add3A = arith.addi %mul3A_0, %arg0 : i32
    %iota3A = tpu.iota {dimensions = array<i32: 0>} : vector<16xi32>
    %dma_start3A = arith.constant 0 : i32
    %dma_start3A_1 = tpu.memref_slice %arg4[%dma_start3A] : memref<32768xf32, #tpu.memory_space<vmem>> -> memref<16384xf32, #tpu.memory_space<vmem>>
    %dma_start3A_2 = arith.constant 0 : i32
    %dma_start3A_3 = tpu.memref_slice %arg2[%add3A, %dma_start3A_2] : memref<64x32768xf32, #tpu.memory_space<hbm>> -> memref<1x16384xf32, #tpu.memory_space<hbm>>
    %dma_start3A_4 = tpu.memref_squeeze %dma_start3A_3 : memref<1x16384xf32, #tpu.memory_space<hbm>> -> memref<16384xf32, #tpu.memory_space<hbm>>
    %dma_start3A_5 = arith.constant 0 : i32
    %dma_start3A_6 = tpu.memref_slice %arg4[%dma_start3A_5] : memref<32768xf32, #tpu.memory_space<vmem>> -> memref<16384xf32, #tpu.memory_space<vmem>>
    %dma_start3A_7 = arith.constant 0 : i32
    %dma_start3A_8 = tpu.memref_slice %arg2[%add3A, %dma_start3A_7] : memref<64x32768xf32, #tpu.memory_space<hbm>> -> memref<1x16384xf32, #tpu.memory_space<hbm>>
    %dma_start3A_9 = tpu.memref_squeeze %dma_start3A_8 : memref<1x16384xf32, #tpu.memory_space<hbm>> -> memref<16384xf32, #tpu.memory_space<hbm>>
    tpu.enqueue_dma source(%dma_start3A_9 : memref<16384xf32, #tpu.memory_space<hbm>>) target(%dma_start3A_6 : memref<16384xf32, #tpu.memory_space<vmem>>) target_semaphore(%arg6 : memref<!tpu.dma_semaphore, #tpu.memory_space<semaphore_mem>>)
    %dma_start3A_10 = arith.constant 16384 : i32
    %dma_start3A_11 = tpu.memref_slice %arg4[%dma_start3A_10] : memref<32768xf32, #tpu.memory_space<vmem>> -> memref<14336xf32, #tpu.memory_space<vmem>>
    %dma_start3A_12 = arith.constant 16384 : i32
    %dma_start3A_13 = tpu.memref_slice %arg2[%add3A, %dma_start3A_12] : memref<64x32768xf32, #tpu.memory_space<hbm>> -> memref<1x14336xf32, #tpu.memory_space<hbm>>
    %dma_start3A_14 = tpu.memref_squeeze %dma_start3A_13 : memref<1x14336xf32, #tpu.memory_space<hbm>> -> memref<14336xf32, #tpu.memory_space<hbm>>
    %dma_start3A_15 = arith.constant 16384 : i32
    %dma_start3A_16 = tpu.memref_slice %arg4[%dma_start3A_15] : memref<32768xf32, #tpu.memory_space<vmem>> -> memref<14336xf32, #tpu.memory_space<vmem>>
    %dma_start3A_17 = arith.constant 16384 : i32
    %dma_start3A_18 = tpu.memref_slice %arg2[%add3A, %dma_start3A_17] : memref<64x32768xf32, #tpu.memory_space<hbm>> -> memref<1x14336xf32, #tpu.memory_space<hbm>>
    %dma_start3A_19 = tpu.memref_squeeze %dma_start3A_18 : memref<1x14336xf32, #tpu.memory_space<hbm>> -> memref<14336xf32, #tpu.memory_space<hbm>>
    tpu.enqueue_dma source(%dma_start3A_19 : memref<14336xf32, #tpu.memory_space<hbm>>) target(%dma_start3A_16 : memref<14336xf32, #tpu.memory_space<vmem>>) target_semaphore(%arg7 : memref<!tpu.dma_semaphore, #tpu.memory_space<semaphore_mem>>)
    %dma_start3A_20 = arith.constant 30720 : i32
    %dma_start3A_21 = tpu.memref_slice %arg4[%dma_start3A_20] : memref<32768xf32, #tpu.memory_space<vmem>> -> memref<2048xf32, #tpu.memory_space<vmem>>
    %dma_start3A_22 = arith.constant 30720 : i32
    %dma_start3A_23 = tpu.memref_slice %arg2[%add3A, %dma_start3A_22] : memref<64x32768xf32, #tpu.memory_space<hbm>> -> memref<1x2048xf32, #tpu.memory_space<hbm>>
    %dma_start3A_24 = tpu.memref_squeeze %dma_start3A_23 : memref<1x2048xf32, #tpu.memory_space<hbm>> -> memref<2048xf32, #tpu.memory_space<hbm>>
    %dma_start3A_25 = arith.constant 30720 : i32
    %dma_start3A_26 = tpu.memref_slice %arg4[%dma_start3A_25] : memref<32768xf32, #tpu.memory_space<vmem>> -> memref<2048xf32, #tpu.memory_space<vmem>>
    %dma_start3A_27 = arith.constant 30720 : i32
    %dma_start3A_28 = tpu.memref_slice %arg2[%add3A, %dma_start3A_27] : memref<64x32768xf32, #tpu.memory_space<hbm>> -> memref<1x2048xf32, #tpu.memory_space<hbm>>
    %dma_start3A_29 = tpu.memref_squeeze %dma_start3A_28 : memref<1x2048xf32, #tpu.memory_space<hbm>> -> memref<2048xf32, #tpu.memory_space<hbm>>
    tpu.enqueue_dma source(%dma_start3A_29 : memref<2048xf32, #tpu.memory_space<hbm>>) target(%dma_start3A_26 : memref<2048xf32, #tpu.memory_space<vmem>>) target_semaphore(%arg8 : memref<!tpu.dma_semaphore, #tpu.memory_space<semaphore_mem>>)
    %broadcast_in_dim3A = arith.constant 0x7F800000 : f32
    %broadcast_in_dim3A_30 = vector.broadcast %broadcast_in_dim3A : f32 to vector<16xf32>
    %broadcast_in_dim3A_31 = arith.constant 0x7F800000 : f32
    %broadcast_in_dim3A_32 = vector.broadcast %broadcast_in_dim3A_31 : f32 to vector<16xf32>
    %broadcast_in_dim3A_33 = arith.constant 0x7F800000 : f32
    %broadcast_in_dim3A_34 = vector.broadcast %broadcast_in_dim3A_33 : f32 to vector<16xf32>
    %broadcast_in_dim3A_35 = arith.constant 0x7F800000 : f32
    %broadcast_in_dim3A_36 = vector.broadcast %broadcast_in_dim3A_35 : f32 to vector<16xf32>
    %broadcast_in_dim3A_37 = arith.constant 0x7F800000 : f32
    %broadcast_in_dim3A_38 = vector.broadcast %broadcast_in_dim3A_37 : f32 to vector<16xf32>
    %broadcast_in_dim3A_39 = arith.constant 0x7F800000 : f32
    %broadcast_in_dim3A_40 = vector.broadcast %broadcast_in_dim3A_39 : f32 to vector<16xf32>
    %broadcast_in_dim3A_41 = arith.constant 0x7F800000 : f32
    %broadcast_in_dim3A_42 = vector.broadcast %broadcast_in_dim3A_41 : f32 to vector<16xf32>
    %broadcast_in_dim3A_43 = arith.constant 0x7F800000 : f32
    %broadcast_in_dim3A_44 = vector.broadcast %broadcast_in_dim3A_43 : f32 to vector<16xf32>
    %broadcast_in_dim3A_45 = arith.constant 0 : i32
    %broadcast_in_dim3A_46 = vector.broadcast %broadcast_in_dim3A_45 : i32 to vector<16xi32>
    %broadcast_in_dim3A_47 = arith.constant 0 : i32
    %broadcast_in_dim3A_48 = vector.broadcast %broadcast_in_dim3A_47 : i32 to vector<16xi32>
    %broadcast_in_dim3A_49 = arith.constant 0 : i32
    %broadcast_in_dim3A_50 = vector.broadcast %broadcast_in_dim3A_49 : i32 to vector<16xi32>
    %broadcast_in_dim3A_51 = arith.constant 0 : i32
    %broadcast_in_dim3A_52 = vector.broadcast %broadcast_in_dim3A_51 : i32 to vector<16xi32>
    %broadcast_in_dim3A_53 = arith.constant 0 : i32
    %broadcast_in_dim3A_54 = vector.broadcast %broadcast_in_dim3A_53 : i32 to vector<16xi32>
    %broadcast_in_dim3A_55 = arith.constant 0 : i32
    %broadcast_in_dim3A_56 = vector.broadcast %broadcast_in_dim3A_55 : i32 to vector<16xi32>
    %broadcast_in_dim3A_57 = arith.constant 0 : i32
    %broadcast_in_dim3A_58 = vector.broadcast %broadcast_in_dim3A_57 : i32 to vector<16xi32>
    %broadcast_in_dim3A_59 = arith.constant 0 : i32
    %broadcast_in_dim3A_60 = vector.broadcast %broadcast_in_dim3A_59 : i32 to vector<16xi32>
    %dma_wait3A = arith.constant 0 : i32
    %dma_wait3A_61 = tpu.memref_slice %arg4[%dma_wait3A] : memref<32768xf32, #tpu.memory_space<vmem>> -> memref<16384xf32, #tpu.memory_space<vmem>>
    %dma_wait3A_62 = arith.constant 0 : i32
    %dma_wait3A_63 = tpu.memref_slice %arg2[%add3A, %dma_wait3A_62] : memref<64x32768xf32, #tpu.memory_space<hbm>> -> memref<1x16384xf32, #tpu.memory_space<hbm>>
    %dma_wait3A_64 = tpu.memref_squeeze %dma_wait3A_63 : memref<1x16384xf32, #tpu.memory_space<hbm>> -> memref<16384xf32, #tpu.memory_space<hbm>>
    %dma_wait3A_65 = arith.constant 0 : i32
    %dma_wait3A_66 = tpu.memref_slice %arg4[%dma_wait3A_65] : memref<32768xf32, #tpu.memory_space<vmem>> -> memref<16384xf32, #tpu.memory_space<vmem>>
    %dma_wait3A_67 = arith.constant 0 : i32
    %dma_wait3A_68 = tpu.memref_slice %arg2[%add3A, %dma_wait3A_67] : memref<64x32768xf32, #tpu.memory_space<hbm>> -> memref<1x16384xf32, #tpu.memory_space<hbm>>
    %dma_wait3A_69 = tpu.memref_squeeze %dma_wait3A_68 : memref<1x16384xf32, #tpu.memory_space<hbm>> -> memref<16384xf32, #tpu.memory_space<hbm>>
    tpu.wait_dma2 semaphore(%arg6 : memref<!tpu.dma_semaphore, #tpu.memory_space<semaphore_mem>>) src(%dma_wait3A_69 : memref<16384xf32, #tpu.memory_space<hbm>>) dst(%dma_wait3A_66 : memref<16384xf32, #tpu.memory_space<vmem>>)
    %scan3A = arith.constant 0 : i32
    %scan3A_70 = arith.constant 128 : i32
    %scan3A_71 = arith.addi %scan3A, %scan3A_70 : i32
    %scan3A_72 = arith.constant 1 : i32
    %scan3A_73:16 = scf.for %scan3A_330 = %scan3A to %scan3A_71 step %scan3A_72 iter_args(%scan3A_331 = %broadcast_in_dim3A_30, %scan3A_332 = %broadcast_in_dim3A_32, %scan3A_333 = %broadcast_in_dim3A_34, %scan3A_334 = %broadcast_in_dim3A_36, %scan3A_335 = %broadcast_in_dim3A_38, %scan3A_336 = %broadcast_in_dim3A_40, %scan3A_337 = %broadcast_in_dim3A_42, %scan3A_338 = %broadcast_in_dim3A_44, %scan3A_339 = %broadcast_in_dim3A_46, %scan3A_340 = %broadcast_in_dim3A_48, %scan3A_341 = %broadcast_in_dim3A_50, %scan3A_342 = %broadcast_in_dim3A_52, %scan3A_343 = %broadcast_in_dim3A_54, %scan3A_344 = %broadcast_in_dim3A_56, %scan3A_345 = %broadcast_in_dim3A_58, %scan3A_346 = %broadcast_in_dim3A_60) -> (vector<16xf32>, vector<16xf32>, vector<16xf32>, vector<16xf32>, vector<16xf32>, vector<16xf32>, vector<16xf32>, vector<16xf32>, vector<16xi32>, vector<16xi32>, vector<16xi32>, vector<16xi32>, vector<16xi32>, vector<16xi32>, vector<16xi32>, vector<16xi32>)  : i32 {
      %add3A_347 = arith.constant 0 : i32
      %add3A_348 = arith.addi %scan3A_330, %add3A_347 : i32
      %mul3A_349 = arith.constant 128 : i32
      %mul3A_350 = arith.muli %add3A_348, %mul3A_349 : i32
      %broadcast_in_dim3A_351 = arith.constant 0 : i32
      %broadcast_in_dim3A_352 = vector.broadcast %broadcast_in_dim3A_351 : i32 to vector<16xi32>
      %add3A_353 = vector.broadcast %add3A_348 : i32 to vector<16xi32>
      %add3A_354 = arith.addi %broadcast_in_dim3A_352, %add3A_353 : vector<16xi32>
      %add3A_355 = arith.constant 0 : i32
      %add3A_356 = arith.addi %mul3A_350, %add3A_355 : i32
      %get3A = arith.index_cast %add3A_356 : i32 to index
      %get3A_357 = tpu.vector_load %arg4[%get3A] {strides = array<i32>} : memref<32768xf32, #tpu.memory_space<vmem>>, vector<16xf32>,
      %get3A_358 = vector.shape_cast %get3A_357 : vector<16xf32> to vector<16xf32>
      %lt3A_359 = arith.cmpf olt, %get3A_358, %scan3A_331 : vector<16xf32>
      %select_n3A_360 = arith.select %lt3A_359, %get3A_358, %scan3A_331 : vector<16xi1>, vector<16xf32>
      %select_n3A_361 = arith.select %lt3A_359, %add3A_354, %scan3A_339 : vector<16xi1>, vector<16xi32>
      %add3A_362 = arith.constant 16 : i32
      %add3A_363 = arith.addi %mul3A_350, %add3A_362 : i32
      %get3A_364 = arith.index_cast %add3A_363 : i32 to index
      %get3A_365 = tpu.vector_load %arg4[%get3A_364] {strides = array<i32>} : memref<32768xf32, #tpu.memory_space<vmem>>, vector<16xf32>,
      %get3A_366 = vector.shape_cast %get3A_365 : vector<16xf32> to vector<16xf32>
      %lt3A_367 = arith.cmpf olt, %get3A_366, %scan3A_332 : vector<16xf32>
      %select_n3A_368 = arith.select %lt3A_367, %get3A_366, %scan3A_332 : vector<16xi1>, vector<16xf32>
      %select_n3A_369 = arith.select %lt3A_367, %add3A_354, %scan3A_340 : vector<16xi1>, vector<16xi32>
      %add3A_370 = arith.constant 32 : i32
      %add3A_371 = arith.addi %mul3A_350, %add3A_370 : i32
      %get3A_372 = arith.index_cast %add3A_371 : i32 to index
      %get3A_373 = tpu.vector_load %arg4[%get3A_372] {strides = array<i32>} : memref<32768xf32, #tpu.memory_space<vmem>>, vector<16xf32>,
      %get3A_374 = vector.shape_cast %get3A_373 : vector<16xf32> to vector<16xf32>
      %lt3A_375 = arith.cmpf olt, %get3A_374, %scan3A_333 : vector<16xf32>
      %select_n3A_376 = arith.select %lt3A_375, %get3A_374, %scan3A_333 : vector<16xi1>, vector<16xf32>
      %select_n3A_377 = arith.select %lt3A_375, %add3A_354, %scan3A_341 : vector<16xi1>, vector<16xi32>
      %add3A_378 = arith.constant 48 : i32
      %add3A_379 = arith.addi %mul3A_350, %add3A_378 : i32
      %get3A_380 = arith.index_cast %add3A_379 : i32 to index
      %get3A_381 = tpu.vector_load %arg4[%get3A_380] {strides = array<i32>} : memref<32768xf32, #tpu.memory_space<vmem>>, vector<16xf32>,
      %get3A_382 = vector.shape_cast %get3A_381 : vector<16xf32> to vector<16xf32>
      %lt3A_383 = arith.cmpf olt, %get3A_382, %scan3A_334 : vector<16xf32>
      %select_n3A_384 = arith.select %lt3A_383, %get3A_382, %scan3A_334 : vector<16xi1>, vector<16xf32>
      %select_n3A_385 = arith.select %lt3A_383, %add3A_354, %scan3A_342 : vector<16xi1>, vector<16xi32>
      %add3A_386 = arith.constant 64 : i32
      %add3A_387 = arith.addi %mul3A_350, %add3A_386 : i32
      %get3A_388 = arith.index_cast %add3A_387 : i32 to index
      %get3A_389 = tpu.vector_load %arg4[%get3A_388] {strides = array<i32>} : memref<32768xf32, #tpu.memory_space<vmem>>, vector<16xf32>,
      %get3A_390 = vector.shape_cast %get3A_389 : vector<16xf32> to vector<16xf32>
      %lt3A_391 = arith.cmpf olt, %get3A_390, %scan3A_335 : vector<16xf32>
      %select_n3A_392 = arith.select %lt3A_391, %get3A_390, %scan3A_335 : vector<16xi1>, vector<16xf32>
      %select_n3A_393 = arith.select %lt3A_391, %add3A_354, %scan3A_343 : vector<16xi1>, vector<16xi32>
      %add3A_394 = arith.constant 80 : i32
      %add3A_395 = arith.addi %mul3A_350, %add3A_394 : i32
      %get3A_396 = arith.index_cast %add3A_395 : i32 to index
      %get3A_397 = tpu.vector_load %arg4[%get3A_396] {strides = array<i32>} : memref<32768xf32, #tpu.memory_space<vmem>>, vector<16xf32>,
      %get3A_398 = vector.shape_cast %get3A_397 : vector<16xf32> to vector<16xf32>
      %lt3A_399 = arith.cmpf olt, %get3A_398, %scan3A_336 : vector<16xf32>
      %select_n3A_400 = arith.select %lt3A_399, %get3A_398, %scan3A_336 : vector<16xi1>, vector<16xf32>
      %select_n3A_401 = arith.select %lt3A_399, %add3A_354, %scan3A_344 : vector<16xi1>, vector<16xi32>
      %add3A_402 = arith.constant 96 : i32
      %add3A_403 = arith.addi %mul3A_350, %add3A_402 : i32
      %get3A_404 = arith.index_cast %add3A_403 : i32 to index
      %get3A_405 = tpu.vector_load %arg4[%get3A_404] {strides = array<i32>} : memref<32768xf32, #tpu.memory_space<vmem>>, vector<16xf32>,
      %get3A_406 = vector.shape_cast %get3A_405 : vector<16xf32> to vector<16xf32>
      %lt3A_407 = arith.cmpf olt, %get3A_406, %scan3A_337 : vector<16xf32>
      %select_n3A_408 = arith.select %lt3A_407, %get3A_406, %scan3A_337 : vector<16xi1>, vector<16xf32>
      %select_n3A_409 = arith.select %lt3A_407, %add3A_354, %scan3A_345 : vector<16xi1>, vector<16xi32>
      %add3A_410 = arith.constant 112 : i32
      %add3A_411 = arith.addi %mul3A_350, %add3A_410 : i32
      %get3A_412 = arith.index_cast %add3A_411 : i32 to index
      %get3A_413 = tpu.vector_load %arg4[%get3A_412] {strides = array<i32>} : memref<32768xf32, #tpu.memory_space<vmem>>, vector<16xf32>,
      %get3A_414 = vector.shape_cast %get3A_413 : vector<16xf32> to vector<16xf32>
      %lt3A_415 = arith.cmpf olt, %get3A_414, %scan3A_338 : vector<16xf32>
      %select_n3A_416 = arith.select %lt3A_415, %get3A_414, %scan3A_338 : vector<16xi1>, vector<16xf32>
      %select_n3A_417 = arith.select %lt3A_415, %add3A_354, %scan3A_346 : vector<16xi1>, vector<16xi32>
      scf.yield %select_n3A_360, %select_n3A_368, %select_n3A_376, %select_n3A_384, %select_n3A_392, %select_n3A_400, %select_n3A_408, %select_n3A_416, %select_n3A_361, %select_n3A_369, %select_n3A_377, %select_n3A_385, %select_n3A_393, %select_n3A_401, %select_n3A_409, %select_n3A_417 : vector<16xf32>, vector<16xf32>, vector<16xf32>, vector<16xf32>, vector<16xf32>, vector<16xf32>, vector<16xf32>, vector<16xf32>, vector<16xi32>, vector<16xi32>, vector<16xi32>, vector<16xi32>, vector<16xi32>, vector<16xi32>, vector<16xi32>, vector<16xi32>
    }
    %scan3A_74 = arith.constant 128 : i32
    %dma_wait3A_75 = arith.constant 16384 : i32
    %dma_wait3A_76 = tpu.memref_slice %arg4[%dma_wait3A_75] : memref<32768xf32, #tpu.memory_space<vmem>> -> memref<14336xf32, #tpu.memory_space<vmem>>
    %dma_wait3A_77 = arith.constant 16384 : i32
    %dma_wait3A_78 = tpu.memref_slice %arg2[%add3A, %dma_wait3A_77] : memref<64x32768xf32, #tpu.memory_space<hbm>> -> memref<1x14336xf32, #tpu.memory_space<hbm>>
    %dma_wait3A_79 = tpu.memref_squeeze %dma_wait3A_78 : memref<1x14336xf32, #tpu.memory_space<hbm>> -> memref<14336xf32, #tpu.memory_space<hbm>>
    %dma_wait3A_80 = arith.constant 16384 : i32
    %dma_wait3A_81 = tpu.memref_slice %arg4[%dma_wait3A_80] : memref<32768xf32, #tpu.memory_space<vmem>> -> memref<14336xf32, #tpu.memory_space<vmem>>
    %dma_wait3A_82 = arith.constant 16384 : i32
    %dma_wait3A_83 = tpu.memref_slice %arg2[%add3A, %dma_wait3A_82] : memref<64x32768xf32, #tpu.memory_space<hbm>> -> memref<1x14336xf32, #tpu.memory_space<hbm>>
    %dma_wait3A_84 = tpu.memref_squeeze %dma_wait3A_83 : memref<1x14336xf32, #tpu.memory_space<hbm>> -> memref<14336xf32, #tpu.memory_space<hbm>>
    tpu.wait_dma2 semaphore(%arg7 : memref<!tpu.dma_semaphore, #tpu.memory_space<semaphore_mem>>) src(%dma_wait3A_84 : memref<14336xf32, #tpu.memory_space<hbm>>) dst(%dma_wait3A_81 : memref<14336xf32, #tpu.memory_space<vmem>>)
    %scan3A_85 = arith.constant 0 : i32
    %scan3A_86 = arith.constant 112 : i32
    %scan3A_87 = arith.addi %scan3A_85, %scan3A_86 : i32
    %scan3A_88 = arith.constant 1 : i32
    %scan3A_89:16 = scf.for %scan3A_330 = %scan3A_85 to %scan3A_87 step %scan3A_88 iter_args(%scan3A_331 = %scan3A_73#0, %scan3A_332 = %scan3A_73#1, %scan3A_333 = %scan3A_73#2, %scan3A_334 = %scan3A_73#3, %scan3A_335 = %scan3A_73#4, %scan3A_336 = %scan3A_73#5, %scan3A_337 = %scan3A_73#6, %scan3A_338 = %scan3A_73#7, %scan3A_339 = %scan3A_73#8, %scan3A_340 = %scan3A_73#9, %scan3A_341 = %scan3A_73#10, %scan3A_342 = %scan3A_73#11, %scan3A_343 = %scan3A_73#12, %scan3A_344 = %scan3A_73#13, %scan3A_345 = %scan3A_73#14, %scan3A_346 = %scan3A_73#15) -> (vector<16xf32>, vector<16xf32>, vector<16xf32>, vector<16xf32>, vector<16xf32>, vector<16xf32>, vector<16xf32>, vector<16xf32>, vector<16xi32>, vector<16xi32>, vector<16xi32>, vector<16xi32>, vector<16xi32>, vector<16xi32>, vector<16xi32>, vector<16xi32>)  : i32 {
      %add3A_347 = arith.constant 128 : i32
      %add3A_348 = arith.addi %scan3A_330, %add3A_347 : i32
      %mul3A_349 = arith.constant 128 : i32
      %mul3A_350 = arith.muli %add3A_348, %mul3A_349 : i32
      %broadcast_in_dim3A_351 = arith.constant 0 : i32
      %broadcast_in_dim3A_352 = vector.broadcast %broadcast_in_dim3A_351 : i32 to vector<16xi32>
      %add3A_353 = vector.broadcast %add3A_348 : i32 to vector<16xi32>
      %add3A_354 = arith.addi %broadcast_in_dim3A_352, %add3A_353 : vector<16xi32>
      %add3A_355 = arith.constant 0 : i32
      %add3A_356 = arith.addi %mul3A_350, %add3A_355 : i32
      %get3A = arith.index_cast %add3A_356 : i32 to index
      %get3A_357 = tpu.vector_load %arg4[%get3A] {strides = array<i32>} : memref<32768xf32, #tpu.memory_space<vmem>>, vector<16xf32>,
      %get3A_358 = vector.shape_cast %get3A_357 : vector<16xf32> to vector<16xf32>
      %lt3A_359 = arith.cmpf olt, %get3A_358, %scan3A_331 : vector<16xf32>
      %select_n3A_360 = arith.select %lt3A_359, %get3A_358, %scan3A_331 : vector<16xi1>, vector<16xf32>
      %select_n3A_361 = arith.select %lt3A_359, %add3A_354, %scan3A_339 : vector<16xi1>, vector<16xi32>
      %add3A_362 = arith.constant 16 : i32
      %add3A_363 = arith.addi %mul3A_350, %add3A_362 : i32
      %get3A_364 = arith.index_cast %add3A_363 : i32 to index
      %get3A_365 = tpu.vector_load %arg4[%get3A_364] {strides = array<i32>} : memref<32768xf32, #tpu.memory_space<vmem>>, vector<16xf32>,
      %get3A_366 = vector.shape_cast %get3A_365 : vector<16xf32> to vector<16xf32>
      %lt3A_367 = arith.cmpf olt, %get3A_366, %scan3A_332 : vector<16xf32>
      %select_n3A_368 = arith.select %lt3A_367, %get3A_366, %scan3A_332 : vector<16xi1>, vector<16xf32>
      %select_n3A_369 = arith.select %lt3A_367, %add3A_354, %scan3A_340 : vector<16xi1>, vector<16xi32>
      %add3A_370 = arith.constant 32 : i32
      %add3A_371 = arith.addi %mul3A_350, %add3A_370 : i32
      %get3A_372 = arith.index_cast %add3A_371 : i32 to index
      %get3A_373 = tpu.vector_load %arg4[%get3A_372] {strides = array<i32>} : memref<32768xf32, #tpu.memory_space<vmem>>, vector<16xf32>,
      %get3A_374 = vector.shape_cast %get3A_373 : vector<16xf32> to vector<16xf32>
      %lt3A_375 = arith.cmpf olt, %get3A_374, %scan3A_333 : vector<16xf32>
      %select_n3A_376 = arith.select %lt3A_375, %get3A_374, %scan3A_333 : vector<16xi1>, vector<16xf32>
      %select_n3A_377 = arith.select %lt3A_375, %add3A_354, %scan3A_341 : vector<16xi1>, vector<16xi32>
      %add3A_378 = arith.constant 48 : i32
      %add3A_379 = arith.addi %mul3A_350, %add3A_378 : i32
      %get3A_380 = arith.index_cast %add3A_379 : i32 to index
      %get3A_381 = tpu.vector_load %arg4[%get3A_380] {strides = array<i32>} : memref<32768xf32, #tpu.memory_space<vmem>>, vector<16xf32>,
      %get3A_382 = vector.shape_cast %get3A_381 : vector<16xf32> to vector<16xf32>
      %lt3A_383 = arith.cmpf olt, %get3A_382, %scan3A_334 : vector<16xf32>
      %select_n3A_384 = arith.select %lt3A_383, %get3A_382, %scan3A_334 : vector<16xi1>, vector<16xf32>
      %select_n3A_385 = arith.select %lt3A_383, %add3A_354, %scan3A_342 : vector<16xi1>, vector<16xi32>
      %add3A_386 = arith.constant 64 : i32
      %add3A_387 = arith.addi %mul3A_350, %add3A_386 : i32
      %get3A_388 = arith.index_cast %add3A_387 : i32 to index
      %get3A_389 = tpu.vector_load %arg4[%get3A_388] {strides = array<i32>} : memref<32768xf32, #tpu.memory_space<vmem>>, vector<16xf32>,
      %get3A_390 = vector.shape_cast %get3A_389 : vector<16xf32> to vector<16xf32>
      %lt3A_391 = arith.cmpf olt, %get3A_390, %scan3A_335 : vector<16xf32>
      %select_n3A_392 = arith.select %lt3A_391, %get3A_390, %scan3A_335 : vector<16xi1>, vector<16xf32>
      %select_n3A_393 = arith.select %lt3A_391, %add3A_354, %scan3A_343 : vector<16xi1>, vector<16xi32>
      %add3A_394 = arith.constant 80 : i32
      %add3A_395 = arith.addi %mul3A_350, %add3A_394 : i32
      %get3A_396 = arith.index_cast %add3A_395 : i32 to index
      %get3A_397 = tpu.vector_load %arg4[%get3A_396] {strides = array<i32>} : memref<32768xf32, #tpu.memory_space<vmem>>, vector<16xf32>,
      %get3A_398 = vector.shape_cast %get3A_397 : vector<16xf32> to vector<16xf32>
      %lt3A_399 = arith.cmpf olt, %get3A_398, %scan3A_336 : vector<16xf32>
      %select_n3A_400 = arith.select %lt3A_399, %get3A_398, %scan3A_336 : vector<16xi1>, vector<16xf32>
      %select_n3A_401 = arith.select %lt3A_399, %add3A_354, %scan3A_344 : vector<16xi1>, vector<16xi32>
      %add3A_402 = arith.constant 96 : i32
      %add3A_403 = arith.addi %mul3A_350, %add3A_402 : i32
      %get3A_404 = arith.index_cast %add3A_403 : i32 to index
      %get3A_405 = tpu.vector_load %arg4[%get3A_404] {strides = array<i32>} : memref<32768xf32, #tpu.memory_space<vmem>>, vector<16xf32>,
      %get3A_406 = vector.shape_cast %get3A_405 : vector<16xf32> to vector<16xf32>
      %lt3A_407 = arith.cmpf olt, %get3A_406, %scan3A_337 : vector<16xf32>
      %select_n3A_408 = arith.select %lt3A_407, %get3A_406, %scan3A_337 : vector<16xi1>, vector<16xf32>
      %select_n3A_409 = arith.select %lt3A_407, %add3A_354, %scan3A_345 : vector<16xi1>, vector<16xi32>
      %add3A_410 = arith.constant 112 : i32
      %add3A_411 = arith.addi %mul3A_350, %add3A_410 : i32
      %get3A_412 = arith.index_cast %add3A_411 : i32 to index
      %get3A_413 = tpu.vector_load %arg4[%get3A_412] {strides = array<i32>} : memref<32768xf32, #tpu.memory_space<vmem>>, vector<16xf32>,
      %get3A_414 = vector.shape_cast %get3A_413 : vector<16xf32> to vector<16xf32>
      %lt3A_415 = arith.cmpf olt, %get3A_414, %scan3A_338 : vector<16xf32>
      %select_n3A_416 = arith.select %lt3A_415, %get3A_414, %scan3A_338 : vector<16xi1>, vector<16xf32>
      %select_n3A_417 = arith.select %lt3A_415, %add3A_354, %scan3A_346 : vector<16xi1>, vector<16xi32>
      scf.yield %select_n3A_360, %select_n3A_368, %select_n3A_376, %select_n3A_384, %select_n3A_392, %select_n3A_400, %select_n3A_408, %select_n3A_416, %select_n3A_361, %select_n3A_369, %select_n3A_377, %select_n3A_385, %select_n3A_393, %select_n3A_401, %select_n3A_409, %select_n3A_417 : vector<16xf32>, vector<16xf32>, vector<16xf32>, vector<16xf32>, vector<16xf32>, vector<16xf32>, vector<16xf32>, vector<16xf32>, vector<16xi32>, vector<16xi32>, vector<16xi32>, vector<16xi32>, vector<16xi32>, vector<16xi32>, vector<16xi32>, vector<16xi32>
    }
    %scan3A_90 = arith.constant 112 : i32
    %dma_wait3A_91 = arith.constant 30720 : i32
    %dma_wait3A_92 = tpu.memref_slice %arg4[%dma_wait3A_91] : memref<32768xf32, #tpu.memory_space<vmem>> -> memref<2048xf32, #tpu.memory_space<vmem>>
    %dma_wait3A_93 = arith.constant 30720 : i32
    %dma_wait3A_94 = tpu.memref_slice %arg2[%add3A, %dma_wait3A_93] : memref<64x32768xf32, #tpu.memory_space<hbm>> -> memref<1x2048xf32, #tpu.memory_space<hbm>>
    %dma_wait3A_95 = tpu.memref_squeeze %dma_wait3A_94 : memref<1x2048xf32, #tpu.memory_space<hbm>> -> memref<2048xf32, #tpu.memory_space<hbm>>
    %dma_wait3A_96 = arith.constant 30720 : i32
    %dma_wait3A_97 = tpu.memref_slice %arg4[%dma_wait3A_96] : memref<32768xf32, #tpu.memory_space<vmem>> -> memref<2048xf32, #tpu.memory_space<vmem>>
    %dma_wait3A_98 = arith.constant 30720 : i32
    %dma_wait3A_99 = tpu.memref_slice %arg2[%add3A, %dma_wait3A_98] : memref<64x32768xf32, #tpu.memory_space<hbm>> -> memref<1x2048xf32, #tpu.memory_space<hbm>>
    %dma_wait3A_100 = tpu.memref_squeeze %dma_wait3A_99 : memref<1x2048xf32, #tpu.memory_space<hbm>> -> memref<2048xf32, #tpu.memory_space<hbm>>
    tpu.wait_dma2 semaphore(%arg8 : memref<!tpu.dma_semaphore, #tpu.memory_space<semaphore_mem>>) src(%dma_wait3A_100 : memref<2048xf32, #tpu.memory_space<hbm>>) dst(%dma_wait3A_97 : memref<2048xf32, #tpu.memory_space<vmem>>)
    %scan3A_101 = arith.constant 0 : i32
    %scan3A_102 = arith.constant 16 : i32
    %scan3A_103 = arith.addi %scan3A_101, %scan3A_102 : i32
    %scan3A_104 = arith.constant 1 : i32
    %scan3A_105:16 = scf.for %scan3A_330 = %scan3A_101 to %scan3A_103 step %scan3A_104 iter_args(%scan3A_331 = %scan3A_89#0, %scan3A_332 = %scan3A_89#1, %scan3A_333 = %scan3A_89#2, %scan3A_334 = %scan3A_89#3, %scan3A_335 = %scan3A_89#4, %scan3A_336 = %scan3A_89#5, %scan3A_337 = %scan3A_89#6, %scan3A_338 = %scan3A_89#7, %scan3A_339 = %scan3A_89#8, %scan3A_340 = %scan3A_89#9, %scan3A_341 = %scan3A_89#10, %scan3A_342 = %scan3A_89#11, %scan3A_343 = %scan3A_89#12, %scan3A_344 = %scan3A_89#13, %scan3A_345 = %scan3A_89#14, %scan3A_346 = %scan3A_89#15) -> (vector<16xf32>, vector<16xf32>, vector<16xf32>, vector<16xf32>, vector<16xf32>, vector<16xf32>, vector<16xf32>, vector<16xf32>, vector<16xi32>, vector<16xi32>, vector<16xi32>, vector<16xi32>, vector<16xi32>, vector<16xi32>, vector<16xi32>, vector<16xi32>)  : i32 {
      %add3A_347 = arith.constant 240 : i32
      %add3A_348 = arith.addi %scan3A_330, %add3A_347 : i32
      %mul3A_349 = arith.constant 128 : i32
      %mul3A_350 = arith.muli %add3A_348, %mul3A_349 : i32
      %broadcast_in_dim3A_351 = arith.constant 0 : i32
      %broadcast_in_dim3A_352 = vector.broadcast %broadcast_in_dim3A_351 : i32 to vector<16xi32>
      %add3A_353 = vector.broadcast %add3A_348 : i32 to vector<16xi32>
      %add3A_354 = arith.addi %broadcast_in_dim3A_352, %add3A_353 : vector<16xi32>
      %add3A_355 = arith.constant 0 : i32
      %add3A_356 = arith.addi %mul3A_350, %add3A_355 : i32
      %get3A = arith.index_cast %add3A_356 : i32 to index
      %get3A_357 = tpu.vector_load %arg4[%get3A] {strides = array<i32>} : memref<32768xf32, #tpu.memory_space<vmem>>, vector<16xf32>,
      %get3A_358 = vector.shape_cast %get3A_357 : vector<16xf32> to vector<16xf32>
      %lt3A_359 = arith.cmpf olt, %get3A_358, %scan3A_331 : vector<16xf32>
      %select_n3A_360 = arith.select %lt3A_359, %get3A_358, %scan3A_331 : vector<16xi1>, vector<16xf32>
      %select_n3A_361 = arith.select %lt3A_359, %add3A_354, %scan3A_339 : vector<16xi1>, vector<16xi32>
      %add3A_362 = arith.constant 16 : i32
      %add3A_363 = arith.addi %mul3A_350, %add3A_362 : i32
      %get3A_364 = arith.index_cast %add3A_363 : i32 to index
      %get3A_365 = tpu.vector_load %arg4[%get3A_364] {strides = array<i32>} : memref<32768xf32, #tpu.memory_space<vmem>>, vector<16xf32>,
      %get3A_366 = vector.shape_cast %get3A_365 : vector<16xf32> to vector<16xf32>
      %lt3A_367 = arith.cmpf olt, %get3A_366, %scan3A_332 : vector<16xf32>
      %select_n3A_368 = arith.select %lt3A_367, %get3A_366, %scan3A_332 : vector<16xi1>, vector<16xf32>
      %select_n3A_369 = arith.select %lt3A_367, %add3A_354, %scan3A_340 : vector<16xi1>, vector<16xi32>
      %add3A_370 = arith.constant 32 : i32
      %add3A_371 = arith.addi %mul3A_350, %add3A_370 : i32
      %get3A_372 = arith.index_cast %add3A_371 : i32 to index
      %get3A_373 = tpu.vector_load %arg4[%get3A_372] {strides = array<i32>} : memref<32768xf32, #tpu.memory_space<vmem>>, vector<16xf32>,
      %get3A_374 = vector.shape_cast %get3A_373 : vector<16xf32> to vector<16xf32>
      %lt3A_375 = arith.cmpf olt, %get3A_374, %scan3A_333 : vector<16xf32>
      %select_n3A_376 = arith.select %lt3A_375, %get3A_374, %scan3A_333 : vector<16xi1>, vector<16xf32>
      %select_n3A_377 = arith.select %lt3A_375, %add3A_354, %scan3A_341 : vector<16xi1>, vector<16xi32>
      %add3A_378 = arith.constant 48 : i32
      %add3A_379 = arith.addi %mul3A_350, %add3A_378 : i32
      %get3A_380 = arith.index_cast %add3A_379 : i32 to index
      %get3A_381 = tpu.vector_load %arg4[%get3A_380] {strides = array<i32>} : memref<32768xf32, #tpu.memory_space<vmem>>, vector<16xf32>,
      %get3A_382 = vector.shape_cast %get3A_381 : vector<16xf32> to vector<16xf32>
      %lt3A_383 = arith.cmpf olt, %get3A_382, %scan3A_334 : vector<16xf32>
      %select_n3A_384 = arith.select %lt3A_383, %get3A_382, %scan3A_334 : vector<16xi1>, vector<16xf32>
      %select_n3A_385 = arith.select %lt3A_383, %add3A_354, %scan3A_342 : vector<16xi1>, vector<16xi32>
      %add3A_386 = arith.constant 64 : i32
      %add3A_387 = arith.addi %mul3A_350, %add3A_386 : i32
      %get3A_388 = arith.index_cast %add3A_387 : i32 to index
      %get3A_389 = tpu.vector_load %arg4[%get3A_388] {strides = array<i32>} : memref<32768xf32, #tpu.memory_space<vmem>>, vector<16xf32>,
      %get3A_390 = vector.shape_cast %get3A_389 : vector<16xf32> to vector<16xf32>
      %lt3A_391 = arith.cmpf olt, %get3A_390, %scan3A_335 : vector<16xf32>
      %select_n3A_392 = arith.select %lt3A_391, %get3A_390, %scan3A_335 : vector<16xi1>, vector<16xf32>
      %select_n3A_393 = arith.select %lt3A_391, %add3A_354, %scan3A_343 : vector<16xi1>, vector<16xi32>
      %add3A_394 = arith.constant 80 : i32
      %add3A_395 = arith.addi %mul3A_350, %add3A_394 : i32
      %get3A_396 = arith.index_cast %add3A_395 : i32 to index
      %get3A_397 = tpu.vector_load %arg4[%get3A_396] {strides = array<i32>} : memref<32768xf32, #tpu.memory_space<vmem>>, vector<16xf32>,
      %get3A_398 = vector.shape_cast %get3A_397 : vector<16xf32> to vector<16xf32>
      %lt3A_399 = arith.cmpf olt, %get3A_398, %scan3A_336 : vector<16xf32>
      %select_n3A_400 = arith.select %lt3A_399, %get3A_398, %scan3A_336 : vector<16xi1>, vector<16xf32>
      %select_n3A_401 = arith.select %lt3A_399, %add3A_354, %scan3A_344 : vector<16xi1>, vector<16xi32>
      %add3A_402 = arith.constant 96 : i32
      %add3A_403 = arith.addi %mul3A_350, %add3A_402 : i32
      %get3A_404 = arith.index_cast %add3A_403 : i32 to index
      %get3A_405 = tpu.vector_load %arg4[%get3A_404] {strides = array<i32>} : memref<32768xf32, #tpu.memory_space<vmem>>, vector<16xf32>,
      %get3A_406 = vector.shape_cast %get3A_405 : vector<16xf32> to vector<16xf32>
      %lt3A_407 = arith.cmpf olt, %get3A_406, %scan3A_337 : vector<16xf32>
      %select_n3A_408 = arith.select %lt3A_407, %get3A_406, %scan3A_337 : vector<16xi1>, vector<16xf32>
      %select_n3A_409 = arith.select %lt3A_407, %add3A_354, %scan3A_345 : vector<16xi1>, vector<16xi32>
      %add3A_410 = arith.constant 112 : i32
      %add3A_411 = arith.addi %mul3A_350, %add3A_410 : i32
      %get3A_412 = arith.index_cast %add3A_411 : i32 to index
      %get3A_413 = tpu.vector_load %arg4[%get3A_412] {strides = array<i32>} : memref<32768xf32, #tpu.memory_space<vmem>>, vector<16xf32>,
      %get3A_414 = vector.shape_cast %get3A_413 : vector<16xf32> to vector<16xf32>
      %lt3A_415 = arith.cmpf olt, %get3A_414, %scan3A_338 : vector<16xf32>
      %select_n3A_416 = arith.select %lt3A_415, %get3A_414, %scan3A_338 : vector<16xi1>, vector<16xf32>
      %select_n3A_417 = arith.select %lt3A_415, %add3A_354, %scan3A_346 : vector<16xi1>, vector<16xi32>
      scf.yield %select_n3A_360, %select_n3A_368, %select_n3A_376, %select_n3A_384, %select_n3A_392, %select_n3A_400, %select_n3A_408, %select_n3A_416, %select_n3A_361, %select_n3A_369, %select_n3A_377, %select_n3A_385, %select_n3A_393, %select_n3A_401, %select_n3A_409, %select_n3A_417 : vector<16xf32>, vector<16xf32>, vector<16xf32>, vector<16xf32>, vector<16xf32>, vector<16xf32>, vector<16xf32>, vector<16xf32>, vector<16xi32>, vector<16xi32>, vector<16xi32>, vector<16xi32>, vector<16xi32>, vector<16xi32>, vector<16xi32>, vector<16xi32>
    }
    %scan3A_106 = arith.constant 16 : i32
    %mul3A_107 = arith.constant 128 : i32
    %mul3A_108 = vector.broadcast %mul3A_107 : i32 to vector<16xi32>
    %mul3A_109 = arith.muli %scan3A_105#8, %mul3A_108 : vector<16xi32>
    %add3A_110 = arith.addi %mul3A_109, %iota3A : vector<16xi32>
    %mul3A_111 = arith.constant 128 : i32
    %mul3A_112 = vector.broadcast %mul3A_111 : i32 to vector<16xi32>
    %mul3A_113 = arith.muli %scan3A_105#9, %mul3A_112 : vector<16xi32>
    %add3A_114 = arith.constant 16 : i32
    %add3A_115 = vector.broadcast %add3A_114 : i32 to vector<16xi32>
    %add3A_116 = arith.addi %iota3A, %add3A_115 : vector<16xi32>
    %add3A_117 = arith.addi %mul3A_113, %add3A_116 : vector<16xi32>
    %lt3A = arith.cmpf olt, %scan3A_105#1, %scan3A_105#0 : vector<16xf32>
    %eq3A = arith.cmpf oeq, %scan3A_105#1, %scan3A_105#0 : vector<16xf32>
    %lt3A_118 = arith.cmpi slt, %add3A_117, %add3A_110 : vector<16xi32>
    %and3A = arith.andi %eq3A, %lt3A_118 : vector<16xi1>
    %or3A = arith.ori %lt3A, %and3A : vector<16xi1>
    %select_n3A = arith.select %or3A, %scan3A_105#1, %scan3A_105#0 : vector<16xi1>, vector<16xf32>
    %select_n3A_119 = arith.select %or3A, %add3A_117, %add3A_110 : vector<16xi1>, vector<16xi32>
    %mul3A_120 = arith.constant 128 : i32
    %mul3A_121 = vector.broadcast %mul3A_120 : i32 to vector<16xi32>
    %mul3A_122 = arith.muli %scan3A_105#10, %mul3A_121 : vector<16xi32>
    %add3A_123 = arith.constant 32 : i32
    %add3A_124 = vector.broadcast %add3A_123 : i32 to vector<16xi32>
    %add3A_125 = arith.addi %iota3A, %add3A_124 : vector<16xi32>
    %add3A_126 = arith.addi %mul3A_122, %add3A_125 : vector<16xi32>
    %lt3A_127 = arith.cmpf olt, %scan3A_105#2, %select_n3A : vector<16xf32>
    %eq3A_128 = arith.cmpf oeq, %scan3A_105#2, %select_n3A : vector<16xf32>
    %lt3A_129 = arith.cmpi slt, %add3A_126, %select_n3A_119 : vector<16xi32>
    %and3A_130 = arith.andi %eq3A_128, %lt3A_129 : vector<16xi1>
    %or3A_131 = arith.ori %lt3A_127, %and3A_130 : vector<16xi1>
    %select_n3A_132 = arith.select %or3A_131, %scan3A_105#2, %select_n3A : vector<16xi1>, vector<16xf32>
    %select_n3A_133 = arith.select %or3A_131, %add3A_126, %select_n3A_119 : vector<16xi1>, vector<16xi32>
    %mul3A_134 = arith.constant 128 : i32
    %mul3A_135 = vector.broadcast %mul3A_134 : i32 to vector<16xi32>
    %mul3A_136 = arith.muli %scan3A_105#11, %mul3A_135 : vector<16xi32>
    %add3A_137 = arith.constant 48 : i32
    %add3A_138 = vector.broadcast %add3A_137 : i32 to vector<16xi32>
    %add3A_139 = arith.addi %iota3A, %add3A_138 : vector<16xi32>
    %add3A_140 = arith.addi %mul3A_136, %add3A_139 : vector<16xi32>
    %lt3A_141 = arith.cmpf olt, %scan3A_105#3, %select_n3A_132 : vector<16xf32>
    %eq3A_142 = arith.cmpf oeq, %scan3A_105#3, %select_n3A_132 : vector<16xf32>
    %lt3A_143 = arith.cmpi slt, %add3A_140, %select_n3A_133 : vector<16xi32>
    %and3A_144 = arith.andi %eq3A_142, %lt3A_143 : vector<16xi1>
    %or3A_145 = arith.ori %lt3A_141, %and3A_144 : vector<16xi1>
    %select_n3A_146 = arith.select %or3A_145, %scan3A_105#3, %select_n3A_132 : vector<16xi1>, vector<16xf32>
    %select_n3A_147 = arith.select %or3A_145, %add3A_140, %select_n3A_133 : vector<16xi1>, vector<16xi32>
    %mul3A_148 = arith.constant 128 : i32
    %mul3A_149 = vector.broadcast %mul3A_148 : i32 to vector<16xi32>
    %mul3A_150 = arith.muli %scan3A_105#12, %mul3A_149 : vector<16xi32>
    %add3A_151 = arith.constant 64 : i32
    %add3A_152 = vector.broadcast %add3A_151 : i32 to vector<16xi32>
    %add3A_153 = arith.addi %iota3A, %add3A_152 : vector<16xi32>
    %add3A_154 = arith.addi %mul3A_150, %add3A_153 : vector<16xi32>
    %lt3A_155 = arith.cmpf olt, %scan3A_105#4, %select_n3A_146 : vector<16xf32>
    %eq3A_156 = arith.cmpf oeq, %scan3A_105#4, %select_n3A_146 : vector<16xf32>
    %lt3A_157 = arith.cmpi slt, %add3A_154, %select_n3A_147 : vector<16xi32>
    %and3A_158 = arith.andi %eq3A_156, %lt3A_157 : vector<16xi1>
    %or3A_159 = arith.ori %lt3A_155, %and3A_158 : vector<16xi1>
    %select_n3A_160 = arith.select %or3A_159, %scan3A_105#4, %select_n3A_146 : vector<16xi1>, vector<16xf32>
    %select_n3A_161 = arith.select %or3A_159, %add3A_154, %select_n3A_147 : vector<16xi1>, vector<16xi32>
    %mul3A_162 = arith.constant 128 : i32
    %mul3A_163 = vector.broadcast %mul3A_162 : i32 to vector<16xi32>
    %mul3A_164 = arith.muli %scan3A_105#13, %mul3A_163 : vector<16xi32>
    %add3A_165 = arith.constant 80 : i32
    %add3A_166 = vector.broadcast %add3A_165 : i32 to vector<16xi32>
    %add3A_167 = arith.addi %iota3A, %add3A_166 : vector<16xi32>
    %add3A_168 = arith.addi %mul3A_164, %add3A_167 : vector<16xi32>
    %lt3A_169 = arith.cmpf olt, %scan3A_105#5, %select_n3A_160 : vector<16xf32>
    %eq3A_170 = arith.cmpf oeq, %scan3A_105#5, %select_n3A_160 : vector<16xf32>
    %lt3A_171 = arith.cmpi slt, %add3A_168, %select_n3A_161 : vector<16xi32>
    %and3A_172 = arith.andi %eq3A_170, %lt3A_171 : vector<16xi1>
    %or3A_173 = arith.ori %lt3A_169, %and3A_172 : vector<16xi1>
    %select_n3A_174 = arith.select %or3A_173, %scan3A_105#5, %select_n3A_160 : vector<16xi1>, vector<16xf32>
    %select_n3A_175 = arith.select %or3A_173, %add3A_168, %select_n3A_161 : vector<16xi1>, vector<16xi32>
    %mul3A_176 = arith.constant 128 : i32
    %mul3A_177 = vector.broadcast %mul3A_176 : i32 to vector<16xi32>
    %mul3A_178 = arith.muli %scan3A_105#14, %mul3A_177 : vector<16xi32>
    %add3A_179 = arith.constant 96 : i32
    %add3A_180 = vector.broadcast %add3A_179 : i32 to vector<16xi32>
    %add3A_181 = arith.addi %iota3A, %add3A_180 : vector<16xi32>
    %add3A_182 = arith.addi %mul3A_178, %add3A_181 : vector<16xi32>
    %lt3A_183 = arith.cmpf olt, %scan3A_105#6, %select_n3A_174 : vector<16xf32>
    %eq3A_184 = arith.cmpf oeq, %scan3A_105#6, %select_n3A_174 : vector<16xf32>
    %lt3A_185 = arith.cmpi slt, %add3A_182, %select_n3A_175 : vector<16xi32>
    %and3A_186 = arith.andi %eq3A_184, %lt3A_185 : vector<16xi1>
    %or3A_187 = arith.ori %lt3A_183, %and3A_186 : vector<16xi1>
    %select_n3A_188 = arith.select %or3A_187, %scan3A_105#6, %select_n3A_174 : vector<16xi1>, vector<16xf32>
    %select_n3A_189 = arith.select %or3A_187, %add3A_182, %select_n3A_175 : vector<16xi1>, vector<16xi32>
    %mul3A_190 = arith.constant 128 : i32
    %mul3A_191 = vector.broadcast %mul3A_190 : i32 to vector<16xi32>
    %mul3A_192 = arith.muli %scan3A_105#15, %mul3A_191 : vector<16xi32>
    %add3A_193 = arith.constant 112 : i32
    %add3A_194 = vector.broadcast %add3A_193 : i32 to vector<16xi32>
    %add3A_195 = arith.addi %iota3A, %add3A_194 : vector<16xi32>
    %add3A_196 = arith.addi %mul3A_192, %add3A_195 : vector<16xi32>
    %lt3A_197 = arith.cmpf olt, %scan3A_105#7, %select_n3A_188 : vector<16xf32>
    %eq3A_198 = arith.cmpf oeq, %scan3A_105#7, %select_n3A_188 : vector<16xf32>
    %lt3A_199 = arith.cmpi slt, %add3A_196, %select_n3A_189 : vector<16xi32>
    %and3A_200 = arith.andi %eq3A_198, %lt3A_199 : vector<16xi1>
    %or3A_201 = arith.ori %lt3A_197, %and3A_200 : vector<16xi1>
    %select_n3A_202 = arith.select %or3A_201, %scan3A_105#7, %select_n3A_188 : vector<16xi1>, vector<16xf32>
    %select_n3A_203 = arith.select %or3A_201, %add3A_196, %select_n3A_189 : vector<16xi1>, vector<16xi32>
    %xor3A = arith.constant 8 : i32
    %xor3A_204 = vector.broadcast %xor3A : i32 to vector<16xi32>
    %xor3A_205 = arith.xori %iota3A, %xor3A_204 : vector<16xi32>
    %lt3A_206 = arith.constant 0 : i32
    %lt3A_207 = vector.broadcast %lt3A_206 : i32 to vector<16xi32>
    %lt3A_208 = arith.cmpi slt, %xor3A_205, %lt3A_207 : vector<16xi32>
    %add3A_209 = arith.constant 16 : i32
    %add3A_210 = vector.broadcast %add3A_209 : i32 to vector<16xi32>
    %add3A_211 = arith.addi %xor3A_205, %add3A_210 : vector<16xi32>
    %select_n3A_212 = arith.select %lt3A_208, %add3A_211, %xor3A_205 : vector<16xi1>, vector<16xi32>
    %broadcast_in_dim3A_213 = vector.shape_cast %select_n3A_212 : vector<16xi32> to vector<16x1xi32>
    %gather3A = vector.shape_cast %broadcast_in_dim3A_213 : vector<16x1xi32> to vector<16xi32>
    %gather3A_214 = tpu.dynamic_gather %select_n3A_202[%gather3A] in [0] : vector<16xf32>, vector<16xi32> -> vector<16xf32>
    %lt3A_215 = arith.constant 0 : i32
    %lt3A_216 = vector.broadcast %lt3A_215 : i32 to vector<16xi32>
    %lt3A_217 = arith.cmpi slt, %xor3A_205, %lt3A_216 : vector<16xi32>
    %add3A_218 = arith.constant 16 : i32
    %add3A_219 = vector.broadcast %add3A_218 : i32 to vector<16xi32>
    %add3A_220 = arith.addi %xor3A_205, %add3A_219 : vector<16xi32>
    %select_n3A_221 = arith.select %lt3A_217, %add3A_220, %xor3A_205 : vector<16xi1>, vector<16xi32>
    %broadcast_in_dim3A_222 = vector.shape_cast %select_n3A_221 : vector<16xi32> to vector<16x1xi32>
    %gather3A_223 = vector.shape_cast %broadcast_in_dim3A_222 : vector<16x1xi32> to vector<16xi32>
    %gather3A_224 = tpu.dynamic_gather %select_n3A_203[%gather3A_223] in [0] : vector<16xi32>, vector<16xi32> -> vector<16xi32>
    %lt3A_225 = arith.cmpf olt, %gather3A_214, %select_n3A_202 : vector<16xf32>
    %eq3A_226 = arith.cmpf oeq, %gather3A_214, %select_n3A_202 : vector<16xf32>
    %lt3A_227 = arith.cmpi slt, %gather3A_224, %select_n3A_203 : vector<16xi32>
    %and3A_228 = arith.andi %eq3A_226, %lt3A_227 : vector<16xi1>
    %or3A_229 = arith.ori %lt3A_225, %and3A_228 : vector<16xi1>
    %select_n3A_230 = arith.select %or3A_229, %gather3A_214, %select_n3A_202 : vector<16xi1>, vector<16xf32>
    %select_n3A_231 = arith.select %or3A_229, %gather3A_224, %select_n3A_203 : vector<16xi1>, vector<16xi32>
    %xor3A_232 = arith.constant 4 : i32
    %xor3A_233 = vector.broadcast %xor3A_232 : i32 to vector<16xi32>
    %xor3A_234 = arith.xori %iota3A, %xor3A_233 : vector<16xi32>
    %lt3A_235 = arith.constant 0 : i32
    %lt3A_236 = vector.broadcast %lt3A_235 : i32 to vector<16xi32>
    %lt3A_237 = arith.cmpi slt, %xor3A_234, %lt3A_236 : vector<16xi32>
    %add3A_238 = arith.constant 16 : i32
    %add3A_239 = vector.broadcast %add3A_238 : i32 to vector<16xi32>
    %add3A_240 = arith.addi %xor3A_234, %add3A_239 : vector<16xi32>
    %select_n3A_241 = arith.select %lt3A_237, %add3A_240, %xor3A_234 : vector<16xi1>, vector<16xi32>
    %broadcast_in_dim3A_242 = vector.shape_cast %select_n3A_241 : vector<16xi32> to vector<16x1xi32>
    %gather3A_243 = vector.shape_cast %broadcast_in_dim3A_242 : vector<16x1xi32> to vector<16xi32>
    %gather3A_244 = tpu.dynamic_gather %select_n3A_230[%gather3A_243] in [0] : vector<16xf32>, vector<16xi32> -> vector<16xf32>
    %lt3A_245 = arith.constant 0 : i32
    %lt3A_246 = vector.broadcast %lt3A_245 : i32 to vector<16xi32>
    %lt3A_247 = arith.cmpi slt, %xor3A_234, %lt3A_246 : vector<16xi32>
    %add3A_248 = arith.constant 16 : i32
    %add3A_249 = vector.broadcast %add3A_248 : i32 to vector<16xi32>
    %add3A_250 = arith.addi %xor3A_234, %add3A_249 : vector<16xi32>
    %select_n3A_251 = arith.select %lt3A_247, %add3A_250, %xor3A_234 : vector<16xi1>, vector<16xi32>
    %broadcast_in_dim3A_252 = vector.shape_cast %select_n3A_251 : vector<16xi32> to vector<16x1xi32>
    %gather3A_253 = vector.shape_cast %broadcast_in_dim3A_252 : vector<16x1xi32> to vector<16xi32>
    %gather3A_254 = tpu.dynamic_gather %select_n3A_231[%gather3A_253] in [0] : vector<16xi32>, vector<16xi32> -> vector<16xi32>
    %lt3A_255 = arith.cmpf olt, %gather3A_244, %select_n3A_230 : vector<16xf32>
    %eq3A_256 = arith.cmpf oeq, %gather3A_244, %select_n3A_230 : vector<16xf32>
    %lt3A_257 = arith.cmpi slt, %gather3A_254, %select_n3A_231 : vector<16xi32>
    %and3A_258 = arith.andi %eq3A_256, %lt3A_257 : vector<16xi1>
    %or3A_259 = arith.ori %lt3A_255, %and3A_258 : vector<16xi1>
    %select_n3A_260 = arith.select %or3A_259, %gather3A_244, %select_n3A_230 : vector<16xi1>, vector<16xf32>
    %select_n3A_261 = arith.select %or3A_259, %gather3A_254, %select_n3A_231 : vector<16xi1>, vector<16xi32>
    %xor3A_262 = arith.constant 2 : i32
    %xor3A_263 = vector.broadcast %xor3A_262 : i32 to vector<16xi32>
    %xor3A_264 = arith.xori %iota3A, %xor3A_263 : vector<16xi32>
    %lt3A_265 = arith.constant 0 : i32
    %lt3A_266 = vector.broadcast %lt3A_265 : i32 to vector<16xi32>
    %lt3A_267 = arith.cmpi slt, %xor3A_264, %lt3A_266 : vector<16xi32>
    %add3A_268 = arith.constant 16 : i32
    %add3A_269 = vector.broadcast %add3A_268 : i32 to vector<16xi32>
    %add3A_270 = arith.addi %xor3A_264, %add3A_269 : vector<16xi32>
    %select_n3A_271 = arith.select %lt3A_267, %add3A_270, %xor3A_264 : vector<16xi1>, vector<16xi32>
    %broadcast_in_dim3A_272 = vector.shape_cast %select_n3A_271 : vector<16xi32> to vector<16x1xi32>
    %gather3A_273 = vector.shape_cast %broadcast_in_dim3A_272 : vector<16x1xi32> to vector<16xi32>
    %gather3A_274 = tpu.dynamic_gather %select_n3A_260[%gather3A_273] in [0] : vector<16xf32>, vector<16xi32> -> vector<16xf32>
    %lt3A_275 = arith.constant 0 : i32
    %lt3A_276 = vector.broadcast %lt3A_275 : i32 to vector<16xi32>
    %lt3A_277 = arith.cmpi slt, %xor3A_264, %lt3A_276 : vector<16xi32>
    %add3A_278 = arith.constant 16 : i32
    %add3A_279 = vector.broadcast %add3A_278 : i32 to vector<16xi32>
    %add3A_280 = arith.addi %xor3A_264, %add3A_279 : vector<16xi32>
    %select_n3A_281 = arith.select %lt3A_277, %add3A_280, %xor3A_264 : vector<16xi1>, vector<16xi32>
    %broadcast_in_dim3A_282 = vector.shape_cast %select_n3A_281 : vector<16xi32> to vector<16x1xi32>
    %gather3A_283 = vector.shape_cast %broadcast_in_dim3A_282 : vector<16x1xi32> to vector<16xi32>
    %gather3A_284 = tpu.dynamic_gather %select_n3A_261[%gather3A_283] in [0] : vector<16xi32>, vector<16xi32> -> vector<16xi32>
    %lt3A_285 = arith.cmpf olt, %gather3A_274, %select_n3A_260 : vector<16xf32>
    %eq3A_286 = arith.cmpf oeq, %gather3A_274, %select_n3A_260 : vector<16xf32>
    %lt3A_287 = arith.cmpi slt, %gather3A_284, %select_n3A_261 : vector<16xi32>
    %and3A_288 = arith.andi %eq3A_286, %lt3A_287 : vector<16xi1>
    %or3A_289 = arith.ori %lt3A_285, %and3A_288 : vector<16xi1>
    %select_n3A_290 = arith.select %or3A_289, %gather3A_274, %select_n3A_260 : vector<16xi1>, vector<16xf32>
    %select_n3A_291 = arith.select %or3A_289, %gather3A_284, %select_n3A_261 : vector<16xi1>, vector<16xi32>
    %xor3A_292 = arith.constant 1 : i32
    %xor3A_293 = vector.broadcast %xor3A_292 : i32 to vector<16xi32>
    %xor3A_294 = arith.xori %iota3A, %xor3A_293 : vector<16xi32>
    %lt3A_295 = arith.constant 0 : i32
    %lt3A_296 = vector.broadcast %lt3A_295 : i32 to vector<16xi32>
    %lt3A_297 = arith.cmpi slt, %xor3A_294, %lt3A_296 : vector<16xi32>
    %add3A_298 = arith.constant 16 : i32
    %add3A_299 = vector.broadcast %add3A_298 : i32 to vector<16xi32>
    %add3A_300 = arith.addi %xor3A_294, %add3A_299 : vector<16xi32>
    %select_n3A_301 = arith.select %lt3A_297, %add3A_300, %xor3A_294 : vector<16xi1>, vector<16xi32>
    %broadcast_in_dim3A_302 = vector.shape_cast %select_n3A_301 : vector<16xi32> to vector<16x1xi32>
    %gather3A_303 = vector.shape_cast %broadcast_in_dim3A_302 : vector<16x1xi32> to vector<16xi32>
    %gather3A_304 = tpu.dynamic_gather %select_n3A_290[%gather3A_303] in [0] : vector<16xf32>, vector<16xi32> -> vector<16xf32>
    %lt3A_305 = arith.constant 0 : i32
    %lt3A_306 = vector.broadcast %lt3A_305 : i32 to vector<16xi32>
    %lt3A_307 = arith.cmpi slt, %xor3A_294, %lt3A_306 : vector<16xi32>
    %add3A_308 = arith.constant 16 : i32
    %add3A_309 = vector.broadcast %add3A_308 : i32 to vector<16xi32>
    %add3A_310 = arith.addi %xor3A_294, %add3A_309 : vector<16xi32>
    %select_n3A_311 = arith.select %lt3A_307, %add3A_310, %xor3A_294 : vector<16xi1>, vector<16xi32>
    %broadcast_in_dim3A_312 = vector.shape_cast %select_n3A_311 : vector<16xi32> to vector<16x1xi32>
    %gather3A_313 = vector.shape_cast %broadcast_in_dim3A_312 : vector<16x1xi32> to vector<16xi32>
    %gather3A_314 = tpu.dynamic_gather %select_n3A_291[%gather3A_313] in [0] : vector<16xi32>, vector<16xi32> -> vector<16xi32>
    %lt3A_315 = arith.cmpf olt, %gather3A_304, %select_n3A_290 : vector<16xf32>
    %eq3A_316 = arith.cmpf oeq, %gather3A_304, %select_n3A_290 : vector<16xf32>
    %lt3A_317 = arith.cmpi slt, %gather3A_314, %select_n3A_291 : vector<16xi32>
    %and3A_318 = arith.andi %eq3A_316, %lt3A_317 : vector<16xi1>
    %or3A_319 = arith.ori %lt3A_315, %and3A_318 : vector<16xi1>
    %select_n3A_320 = arith.select %or3A_319, %gather3A_304, %select_n3A_290 : vector<16xi1>, vector<16xf32>
    %select_n3A_321 = arith.select %or3A_319, %gather3A_314, %select_n3A_291 : vector<16xi1>, vector<16xi32>
    %eq3A_322 = arith.constant 0 : i32
    %eq3A_323 = vector.broadcast %eq3A_322 : i32 to vector<16xi32>
    %eq3A_324 = arith.cmpi eq, %iota3A, %eq3A_323 : vector<16xi32>
    %convert_element_type3A = arith.sitofp %select_n3A_321 : vector<16xi32> to vector<16xf32>
    %jit3A = arith.constant 0.000000e+00 : f32
    %broadcast_in_dim3A_325 = vector.broadcast %jit3A : f32 to vector<16xf32>
    %select_n3A_326 = arith.select %eq3A_324, %convert_element_type3A, %broadcast_in_dim3A_325 : vector<16xi1>, vector<16xf32>
    %swap3A = arith.constant 0 : index
    %swap3A_327 = tpu.vector_load %arg5[%swap3A] {strides = array<i32>} : memref<16xf32, #tpu.memory_space<vmem>>, vector<16xf32>,
    %swap3A_328 = vector.shape_cast %swap3A_327 : vector<16xf32> to vector<16xf32>
    %swap3A_329 = vector.shape_cast %select_n3A_326 : vector<16xf32> to vector<16xf32>
    tpu.vector_store %arg5[%swap3A], %swap3A_329 {strides = array<i32>} : memref<16xf32, #tpu.memory_space<vmem>>, vector<16xf32>,
    "tpu.region"() ({
      %run_scoped3A = tpu.sem_alloc : memref<!tpu.dma_semaphore, #tpu.memory_space<semaphore_mem>>
      %dma_start3A_330 = arith.constant 0 : i32
      %dma_start3A_331 = tpu.memref_slice %arg3[%add3A, %dma_start3A_330] : memref<32x16xf32, #tpu.memory_space<hbm>> -> memref<1x16xf32, #tpu.memory_space<hbm>>
      %dma_start3A_332 = tpu.memref_squeeze %dma_start3A_331 : memref<1x16xf32, #tpu.memory_space<hbm>> -> memref<16xf32, #tpu.memory_space<hbm>>
      %dma_start3A_333 = arith.constant 0 : i32
      %dma_start3A_334 = tpu.memref_slice %arg3[%add3A, %dma_start3A_333] : memref<32x16xf32, #tpu.memory_space<hbm>> -> memref<1x16xf32, #tpu.memory_space<hbm>>
      %dma_start3A_335 = tpu.memref_squeeze %dma_start3A_334 : memref<1x16xf32, #tpu.memory_space<hbm>> -> memref<16xf32, #tpu.memory_space<hbm>>
      tpu.enqueue_dma source(%arg5 : memref<16xf32, #tpu.memory_space<vmem>>) target(%dma_start3A_335 : memref<16xf32, #tpu.memory_space<hbm>>) target_semaphore(%run_scoped3A : memref<!tpu.dma_semaphore, #tpu.memory_space<semaphore_mem>>)
      %dma_wait3A_336 = arith.constant 0 : i32
      %dma_wait3A_337 = tpu.memref_slice %arg3[%add3A, %dma_wait3A_336] : memref<32x16xf32, #tpu.memory_space<hbm>> -> memref<1x16xf32, #tpu.memory_space<hbm>>
      %dma_wait3A_338 = tpu.memref_squeeze %dma_wait3A_337 : memref<1x16xf32, #tpu.memory_space<hbm>> -> memref<16xf32, #tpu.memory_space<hbm>>
      %dma_wait3A_339 = arith.constant 0 : i32
      %dma_wait3A_340 = tpu.memref_slice %arg3[%add3A, %dma_wait3A_339] : memref<32x16xf32, #tpu.memory_space<hbm>> -> memref<1x16xf32, #tpu.memory_space<hbm>>
      %dma_wait3A_341 = tpu.memref_squeeze %dma_wait3A_340 : memref<1x16xf32, #tpu.memory_space<hbm>> -> memref<16xf32, #tpu.memory_space<hbm>>
      tpu.wait_dma2 semaphore(%run_scoped3A : memref<!tpu.dma_semaphore, #tpu.memory_space<semaphore_mem>>) src(%arg5 : memref<16xf32, #tpu.memory_space<vmem>>) dst(%dma_wait3A_341 : memref<16xf32, #tpu.memory_space<hbm>>)
      tpu.yield
    }) : () -> ()
    return
  }
}

module attributes {stable_mosaic.version = 14 : i64} {
  func.func @_tc_body(%arg0: i32, %arg1: memref<8x32768xf32, #tpu.memory_space<vmem>>, %arg2: memref<8x1xf32, #tpu.memory_space<vmem>>) attributes {dimension_semantics = [#tpu.dimension_semantics<arbitrary>], iteration_bounds = array<i64: 4>, scalar_prefetch = 0 : i64, scratch_operands = 0 : i64, tpu.core_type = #tpu.core_type<tc>, window_params = [{transform_indices = @transform_0, window_bounds = array<i64: 8, 32768>}, {transform_indices = @transform_1, window_bounds = array<i64: 8, 1>}]} {
    %get3A = arith.constant 0 : index
    %get3A_0 = arith.constant 0 : index
    %get3A_1 = vector.load %arg1[%get3A, %get3A_0] : memref<8x32768xf32, #tpu.memory_space<vmem>>, vector<8x32768xf32>
    %reduce_min3A = arith.constant dense<0x7F800000> : vector<8xf32>
    %reduce_min3A_2 = vector.multi_reduction <minimumf>, %get3A_1, %reduce_min3A [1] : vector<8x32768xf32> to vector<8xf32>
    %broadcast_in_dim3A = vector.shape_cast %reduce_min3A_2 : vector<8xf32> to vector<8x1xf32>
    %iota3A = tpu.iota {dimensions = array<i32: 1>} : vector<8x32768xi32>
    %eq3A = vector.broadcast %broadcast_in_dim3A : vector<8x1xf32> to vector<8x32768xf32>
    %eq3A_3 = arith.cmpf oeq, %get3A_1, %eq3A : vector<8x32768xf32>
    %jit3A = arith.constant 32768 : i32
    %broadcast_in_dim3A_4 = vector.broadcast %jit3A : i32 to vector<8x32768xi32>
    %select_n3A = arith.select %eq3A_3, %iota3A, %broadcast_in_dim3A_4 : vector<8x32768xi1>, vector<8x32768xi32>
    %reduce_min3A_5 = arith.constant dense<2147483647> : vector<8xi32>
    %reduce_min3A_6 = vector.multi_reduction <minsi>, %select_n3A, %reduce_min3A_5 [1] : vector<8x32768xi32> to vector<8xi32>
    %broadcast_in_dim3A_7 = vector.shape_cast %reduce_min3A_6 : vector<8xi32> to vector<8x1xi32>
    %convert_element_type3A = arith.sitofp %broadcast_in_dim3A_7 : vector<8x1xi32> to vector<8x1xf32>
    %swap3A = arith.constant 0 : index
    %swap3A_8 = arith.constant 0 : index
    %swap3A_9 = vector.load %arg2[%swap3A, %swap3A_8] : memref<8x1xf32, #tpu.memory_space<vmem>>, vector<8x1xf32>
    tpu.vector_store %arg2[%swap3A, %swap3A_8], %convert_element_type3A {strides = array<i32>} : memref<8x1xf32, #tpu.memory_space<vmem>>, vector<8x1xf32>,
    return
  }
  func.func @transform_0(%arg0: i32) -> (i32, i32) {
    %add3A = arith.constant 4 : i32
    %add3A_0 = arith.addi %arg0, %add3A : i32
    %c0_i32 = arith.constant 0 : i32
    %c0_i32_1 = arith.constant 0 : i32
    return %add3A_0, %c0_i32 : i32, i32
  }
  func.func @transform_1(%arg0: i32) -> (i32, i32) {
    %c0_i32 = arith.constant 0 : i32
    %c0_i32_0 = arith.constant 0 : i32
    return %arg0, %c0_i32 : i32, i32
  }
}

</mosaic_0001>

<sc_bundles>
// kernel: kernel.4.cloned.1.call-start
scs
__scs_entry_jumppad:
0x0: {  	(pc) =	sbr.rel $0x88, $3  }
0x1: {  	(tag) =	ssettag $0x0;
	lr =	simm.s32 $0x1  }
0x2: {  	[smem:$0x3FA0] =	sst lr;
	_ =	strace $0xD0000000  }
0x3: {  	_ = 	snop  }
0x4: {  	_ = 	snop  }
0x5: {  	_ = 	snop  }
0x6: {  	_ = 	snop  }
0x7: {  	_ = 	snop  }
__scs_overlays_trampoline_lowered:
0x8: {  	[smem:$0x3FAF] =	sst s0  }
0x9: {  	[smem:$0x3FB0] =	sst s1  }
0xa: {  	[smem:$0x3FB1] =	sst s2  }
0xb: {  	[smem:$0x3FB2] =	sst s3  }
0xc: {  	[smem:$0x3FB3] =	sst s4  }
0xd: {  	[smem:$0x3FB4] =	sst s5  }
0xe: {  	[smem:$0x3FB5] =	sst s6  }
0xf: {  	[smem:$0x3FB6] =	sst s7  }
0x10: {  	[smem:$0x3FB7] =	sst s8  }
0x11: {  	[smem:$0x3FB8] =	sst s9;
	s0 =	simm.s32 @!p0 $0x0  }
0x12: {  	s1 =	sld [smem:$0x3F9E];
	s0 =	simm.s32 @p0 $0x1  }
0x13: {  	[smem:$0x3FB9] =	sst s0;
	s0 =	simm.s32 @!p1 $0x0  }
0x14: {  	s2 =	sld [smem:$0x3F9D];
	s0 =	simm.s32 @p1 $0x1  }
0x15: {  	[smem:$0x3FBA] =	sst s0;
	s0 =	simm.s32 @!p2 $0x0  }
0x16: {  	s3 =	sld [smem:$0x3FDB];
	s0 =	simm.s32 @p2 $0x1  }
0x17: {  	s4 =	simm.s32 $0x1BF5;
	[smem:$0x3FBC] =	sst s0  }
0x18: {  	s0 =	sld [smem:$0x3F9F];
	_ =	swait.ge [sflag:s4], $0x0  }
0x19: {  	s7 =	sld [smem:$0x3FA0]  }
0x1a: {  	s8 =	sadd.s32 $0xFFFFE003, lr  }
0x1b: {  	s9 =	sadd.s32 $0xFFFFFEF7, lr;
	s5 =	simm.s32 $0xFFFFFFFF;
	p2 =	slt.u32 s8, $0xFFFFF086  }
0x1c: {  	p1 =	slt.u32 s9, $0xF7A;
	s5 =	simm.s32 @!p2 $0x0  }
0x1d: {  	s5 =	simm.s32 @p1 $0x1;
	p0 =	seq.s32 s7, s2  }
0x1e: {  	s7 =	smul.u32 @!p0 $0xF7A, s2;
	p2 =	seq.s32 @!p0 s5, $0x0  }
0x1f: {  	s9 =	smul.u32 $0xF7A, s1;
	s8 =	simm.s32 @!p0 $0x1BF5;
	p2 =	por !p2, p0  }
0x20: {  	[sflag:s8] =	ssyncset.s32 @!p0 $0xFFFFF086;
	s6 =	sadd.s32 @!p0 s3, s7;
	s7 =	simm.s32 @!p0 $0x108  }
0x21: {  	s3 =	sadd.s32 s3, s9;
	s6 =	sadd.s32 @!p0 $0x88, s6;
	s7 =	simm.s32 @p2 $0x1082  }
0x22: {  	[simem:s7], [sflag:s8] =	dma.local @!p0 [hbm:s6], $0xF7A  }
0x23: {  	s9 =	sor.u32 $0xD0000000, s2;
	s6 =	simm.s32 $0x108;
	_ =	swait.ge @!p0 [sflag:s8], $0x0  }
0x24: {  	s3 =	sadd.s32 $0x88, s3;
	s6 =	simm.s32 @!p1 $0x1082;
	[sflag:s4] =	ssyncset.s32 $0xFFFFF086  }
0x25: {  	[simem:s6], [sflag:s4] =	dma.local [hbm:s3], $0xF7A  }
0x26: {  	[smem:$0x3FA0] =	sst s1;
	(tag) =	ssettag s2;
	_ =	strace s9  }
0x27: {  	s1 =	sld [smem:$0x3FB0]  }
0x28: {  	s2 =	sld [smem:$0x3FB1]  }
0x29: {  	s4 =	sld [smem:$0x3FB3]  }
0x2a: {  	p0 =	seq.s32 s5, $0x0;
	s5 =	sld [smem:$0x3FB4]  }
0x2b: {  	s6 =	sld [smem:$0x3FB5]  }
0x2c: {  	s7 =	sld [smem:$0x3FB6]  }
0x2d: {  	s3 =	simm.s32 $0x108;
	s8 =	sld [smem:$0x3FB7]  }
0x2e: {  	s3 =	simm.s32 @!p0 $0x1082;
	s9 =	sld [smem:$0x3FB8]  }
0x2f: {  	lr =	sadd.s32 s0, s3;
	s0 =	sld [smem:$0x3FAF]  }
0x30: {  	s3 =	sld [smem:$0x3FB2]  }
0x31: {  	[smem:$0x3FBB] =	sst s10  }
0x32: {  	s10 =	sld [smem:$0x3FB9];
	_ =	sdelay $0x3  }
0x33: {  	p0 =	seq.s32 s10, $0x1;
	s10 =	sld [smem:$0x3FBB];
	_ =	sdelay $0x3  }
0x34: {  	[smem:$0x3FBB] =	sst s10  }
0x35: {  	s10 =	sld [smem:$0x3FBA];
	_ =	sdelay $0x3  }
0x36: {  	p1 =	seq.s32 s10, $0x1;
	s10 =	sld [smem:$0x3FBB];
	_ =	sdelay $0x3  }
0x37: {  	[smem:$0x3FBB] =	sst s10  }
0x38: {  	s10 =	sld [smem:$0x3FBC]  }
0x39: {  	_ = 	snop;
	(pc) =	sbr.ind lr, $3  }
0x3a: {  	_ = 	snop  }
0x3b: {  	_ = 	snop  }
0x3c: {  	p2 =	seq.s32 s10, $0x1;
	s10 =	sld [smem:$0x3FBB]  }
0x3d: {  	_ =	shalt  }
0x3e: {  	_ =	shalt  }
0x3f: {  	_ =	shalt  }
0x40: {  	_ =	shalt  }
0x41: {  	_ =	shalt  }
0x42: {  	_ =	shalt  }
0x43: {  	_ =	shalt  }
0x44: {  	_ =	shalt  }
0x45: {  	_ =	shalt  }
0x46: {  	_ =	shalt  }
0x47: {  	_ =	shalt  }
0x48: {  	_ =	shalt  }
0x49: {  	_ =	shalt  }
0x4a: {  	_ =	shalt  }
0x4b: {  	_ =	shalt  }
0x4c: {  	_ =	shalt  }
0x4d: {  	_ =	shalt  }
0x4e: {  	_ =	shalt  }
0x4f: {  	_ =	shalt  }
0x50: {  	_ =	shalt  }
0x51: {  	_ =	shalt  }
0x52: {  	_ =	shalt  }
0x53: {  	_ =	shalt  }
0x54: {  	_ =	shalt  }
0x55: {  	_ =	shalt  }
0x56: {  	_ =	shalt  }
0x57: {  	_ =	shalt  }
0x58: {  	_ =	shalt  }
0x59: {  	_ =	shalt  }
0x5a: {  	_ =	shalt  }
0x5b: {  	_ =	shalt  }
0x5c: {  	_ =	shalt  }
0x5d: {  	_ =	shalt  }
0x5e: {  	_ =	shalt  }
0x5f: {  	_ =	shalt  }
0x60: {  	_ =	shalt  }
0x61: {  	_ =	shalt  }
0x62: {  	_ =	shalt  }
0x63: {  	_ =	shalt  }
0x64: {  	_ =	shalt  }
0x65: {  	_ =	shalt  }
0x66: {  	_ =	shalt  }
0x67: {  	_ =	shalt  }
0x68: {  	_ =	shalt  }
0x69: {  	_ =	shalt  }
0x6a: {  	_ =	shalt  }
0x6b: {  	_ =	shalt  }
0x6c: {  	_ =	shalt  }
0x6d: {  	_ =	shalt  }
0x6e: {  	_ =	shalt  }
0x6f: {  	_ =	shalt  }
0x70: {  	_ =	shalt  }
0x71: {  	_ =	shalt  }
0x72: {  	_ =	shalt  }
0x73: {  	_ =	shalt  }
0x74: {  	_ =	shalt  }
0x75: {  	_ =	shalt  }
0x76: {  	_ =	shalt  }
0x77: {  	_ =	shalt  }
0x78: {  	_ =	shalt  }
0x79: {  	_ =	shalt  }
0x7a: {  	_ =	shalt  }
0x7b: {  	_ =	shalt  }
0x7c: {  	_ =	shalt  }
0x7d: {  	_ =	shalt  }
0x7e: {  	_ =	shalt  }
0x7f: {  	_ =	shalt  }
0x80: {  	_ =	shalt  }
0x81: {  	_ =	shalt  }
0x82: {  	_ =	shalt  }
0x83: {  	_ =	shalt  }
0x84: {  	_ =	shalt  }
0x85: {  	_ =	shalt  }
0x86: {  	_ =	shalt  }
0x87: {  	_ =	shalt  }
.Lfunc_end0:
.L_simem_size_0:
called_computation_lowered:
.L_overlay_start_0:
0x88: {  	s2 =	sld [smem:$0x3FD9]  }
0x89: {  	s3 =	sld [smem:$0x3FFE];
	_ =	sdelay $0x1  }
0x8a: {  	s1 =	srdreg.scid  }
0x8b: {  	s0 =	sand.u32 $0x1, s1  }
0x8c: {  	s17 =	sshll.u32 s0, $0xA;
	s2 =	sadd.s32 s3, s2  }
0x8d: {  	s2 =	sadd.s32 s2, s17  }
0x8e: {  	[smem:$0x3FC7] =	sst s2  }
0x8f: {  	_ = 	snop  }
0x90: {  	s2 =	sld [smem:$0x3FC9];
	(tm) =	ssettm $0x1  }
0x91: {  	s18 =	sld [smem:$0x3FFB];
	_ =	sdelay $0x3  }
0x92: {  	_ =	strace s18  }
0x93: {  	s3 =	sld [smem:$0x3FFC];
	_ =	sdelay $0x3  }
0x94: {  	_ =	strace s3  }
0x95: {  	s3 =	sld [smem:$0x3FFD];
	_ =	sdelay $0x3  }
0x96: {  	_ =	strace s3  }
0x97: {  	_ =	strace $0x8FFFFFFF  }
0x98: {  	s19 =	sld [smem:$0x3FDB];
	_ =	sdelay $0x1  }
0x99: {  	s4 =	simm.s32 $_scs_section_size  }
0x9a: {  	s5 =	simm.s32 $_size__tile_overlayer_lowered;
	s6 =	simm.s32 $_tile_overlayer_lowered  }
0x9b: {  	s22 =	simm.s32 $0x1BFF;
	s21 =	sshll.u32 s6, $0x1;
	s3 =	sadd.s32 s4, s19  }
0x9c: {  	s7 =	simm.s32 $0x0;
	s20 =	sshll.u32 s5, $0x1;
	s5 =	sadd.s32 s21, s3  }
0x9d: {  	[timem:s7], [sflag:s22] =	dma.local [hbm:s5], s20  }
0x9e: {  	_ =	swait.ge [sflag:s22], s20  }
0x9f: {  	s4 =	ssub.s32 $0x0, s20;
	[sflag:s22] =	ssyncset.done $0x0  }
0xa0: {  	[sflag:s22] =	ssyncadd.s32 s4;
	_ =	sdelay $0x1  }
0xa1: {  	s23 =	simm.s32 $0x1B8B  }
0xa2: {  	_ =	swait.ge [sflag:s23], $0x1  }
0xa3: {  	[sflag:s23] =	ssyncset.done $0x0  }
0xa4: {  	s25 =	simm.s32 $0x1B8E;
	s24 =	sld [smem:$0x3FFE];
	[sflag:s23] =	ssyncadd.s32 $0xFFFFFFFF  }
0xa5: {  	s26 =	simm.s32 $execute0_lowered;
	[smem:$0x3FD2] =	sst s25  }
0xa6: {  	s5 =	sshll.u32 s26, $0x1;
	_ =	strace $0x80000046;
	[dreg:$0x1] =	wrdreg $0xFFFFFFFF  }
0xa7: {  	s28 =	simm.s32 $_size_execute0_lowered;
	s3 =	sadd.s32 s3, s5;
	[dreg:$0x0] =	wrdreg $0x0  }
0xa8: {  	s5 =	sshll.u32 s28, $0x1;
	[dreg:$0x2] =	wrdreg s3  }
0xa9: {  	[dreg:$0x3] =	wrdreg s5  }
0xaa: {  	[dreg:$0x4] =	wrdreg $0xC0  }
0xab: {  	_ =	task [dreg:s7], $0x5FFFF  }
0xac: {  	[dreg:$0x1] =	wrdreg $0xFFFFFFFF  }
0xad: {  	[dreg:$0x0] =	wrdreg $0x60  }
0xae: {  	[dreg:$0x2] =	wrdreg s2  }
0xaf: {  	[dreg:$0x3] =	wrdreg s24  }
0xb0: {  	[dreg:$0x4] =	wrdreg $0x9  }
0xb1: {  	_ =	task.clear_ibuf [dreg:s7], $0x5FFFF;
	_ =	strace $0x90000046  }
0xb2: {  	s29 =	simm.s32 $0x9;
	_ =	strace $0x80000048  }
0xb3: {  	_ =	swait.ge [sflag:s29], $0x1  }
0xb4: {  	[sflag:s29] =	ssyncadd.s32 $0xFFFFFFFF  }
0xb5: {  	_ =	strace $0x90000048  }
0xb6: {  	_ =	sfence  }
0xb7: {  	s30 =	sld [smem:$0x0];
	_ =	sdelay $0x2  }
0xb8: {  	s31 =	sshll.u32 s1, $0xD;
	s1 =	sshrl.u32 s1, $0x2  }
0xb9: {  	s3 =	sand.u32 $0x4000, s31;
	s1 =	sadd.s32 s1, s30  }
0xba: {  	s0 =	sor.u32 s3, s0;
	s1 =	sshll.u32 s1, $0x11  }
0xbb: {  	s0 =	sor.u32 s1, s0  }
0xbc: {  	s0 =	sadd.s32 $0x8F2B, s0  }
0xbd: {  	[sflag:s0] =	ssyncadd.remote.s32 $0x1  }
0xbe: {  	_ =	sfence.sel $0xFFFF  }
0xbf: {  	[dreg:$0x0] =	wrdreg $0xFFFFFFFF;
	(pc) =	sbr.abs _section_cstart, $3  }
0xc0: {  	[dreg:$0x1] =	wrdreg $0xFFFFFFFF  }
0xc1: {  	_ =	task.clear_ibuf [dreg:s7], $0x2FFFF;
	_ =	strace $0x9FFFFFFF  }
0xc2: {  	(tm) =	ssettm $0x7FFFFFFF  }
0xc3: {  	_ =	shalt  }
tec
execute0_lowered:
.L_overlay_start_1:
0x0: {  	(tag) =	ssettag $0x1  }
0x1: {  	s3 =	rddreg [dreg:$0x0]  }
0x2: {  	s4 =	rddreg [dreg:$0x1]  }
0x3: {  	v0 =	vimm.s32 $0xFEDCBA98;
	s0 =	rddreg [dreg:$0x2]  }
0x4: {  	s2 =	simm.s32 $0x0;
	s1 =	stileid.u32;
	s5 =	srdreg.scid;
	v1 =	vimm.s32 $0x76543210;
	v2 =	vimm.s32 $0xBA98FEDC;
	v3 =	vimm.s32 $0x32107654  }
0x5: {  	v4 =	vimm.s32 $0xDCFE98BA;
	s9 =	simm.s32 $0x400;
	s10 =	simm.s32 $0x4000;
	s11 =	simm.s32 $0x7800  }
0x6: {  	v5 =	vimm.s32 $0x54761032;
	v6 =	vimm.s32 $0xEFCDAB89;
	v7 =	vimm.s32 $0x67452301;
	s12 =	simm.s32 $0x1;
	s13 =	simm.s32 $0x2;
	s14 =	simm.s32 $0x3  }
0x7: {  	s15 =	simm.s32 $0x8000;
	s16 =	simm.s32 $0x4;
	s17 =	simm.s32 $0x0;
	v0 =	vunpack.c.l.s4.s8 v0;
	v1 =	vunpack.c.l.s4.s8 v1;
	v2 =	vunpack.c.l.s4.s8 v2  }
0x8: {  	[smem:$0x7FF] =	sst s2;
	s6 =	sshll.u32 s1, $0x8;
	s5 =	sand.u32 $0x1, s5;
	v3 =	vunpack.c.l.s4.s8 v3;
	v4 =	vunpack.c.l.s4.s8 v4;
	v5 =	vunpack.c.l.s4.s8 v5  }
0x9: {  	s7 =	sshrl.u32 s1, $0x2;
	v6 =	vunpack.c.l.s4.s8 v6;
	v7 =	vunpack.c.l.s4.s8 v7;
	s6 =	sand.u32 $0x300, s6;
	s8 =	sshll.u32 s5, $0x7;
	v0 =	vunpack.c.0.s8.s32 v0  }
0xa: {  	s28 =	sshll.u32 s7, $0xA;
	s7 =	sshll.u32 s7, $0x12;
	s6 =	sor.u32 s8, s6;
	v2 =	vunpack.c.0.s8.s32 v2;
	v3 =	vunpack.c.0.s8.s32 v3;
	v4 =	vunpack.c.0.s8.s32 v4  }
0xb: {  	s5 =	ssub.s32 $0x2, s5;
	v5 =	vunpack.c.0.s8.s32 v5;
	v6 =	vunpack.c.0.s8.s32 v6;
	v7 =	vunpack.c.0.s8.s32 v7;
	s8 =	sor.u32 s28, s6;
	s6 =	sor.u32 s7, s6  }
0xc: {  	_ =	strace $0x80000047;
	s30 =	sshrl.u32 s5, $0x1;
	v1 =	vunpack.c.0.s8.s32 v1;
	s6 =	sshrl.u32 s6, $0x3;
	v2 =	vcombine.low v3, v2  }
0xd: {  	s31 =	ssub.s32 s5, s30;
	s29 =	sshrl.u32 s8, $0x3;
	v3 =	vcombine.low v5, v4;
	v4 =	vand.u32 $0xF, v0;
	v5 =	vcombine.low v7, v6;
	s3 =	sadd.s32 s3, s6  }
0xe: {  	s8 =	simm.s32 $0x80;
	v0 =	vlaneseq.u32;
	s7 =	sadd.s32 s29, s4;
	v1 =	vcombine.low v4, v1;
	s4 =	sadd.s32 $0x4000, s3  }
0xf: {  	s5 =	sadd.s32 $0x7800, s3;
	s6 =	sadd.s32 $0x600, s7;
	s7 =	smax.u32 s31, $0x1;
	v2 =	vand.u32 $0xF, v2;
	v3 =	vand.u32 $0xF, v3;
	v4 =	vand.u32 $0xF, v5  }
.LBB2_1:
0x10: {  	[tilespmem:s2], [sflag:$0x1] =	stream.strided.gather [hbm4b:s3+s8], $0x4000, s9, s8, $0x38;
	[tilespmem:$0x8080] =	vst v63  }
0x11: {  	_ = 	snop  }
0x12: {  	[tilespmem:s10], [sflag:$0x2] =	stream.strided.gather [hbm4b:s4+s8], $0x3800, s9, s8, $0x38;
	[tilespmem:$0x8080] =	vst v63  }
0x13: {  	_ = 	snop  }
0x14: {  	[tilespmem:s11], [sflag:$0x3] =	stream.strided.gather [hbm4b:s5+s8], $0x800, s9, s8, $0x38;
	[tilespmem:$0x8080] =	vst v63  }
0x15: {  	_ =	swait.ge [sflag:s12], $0x4000  }
0x16: {  	[sflag:s12] =	ssyncset.done $0x0  }
0x17: {  	s18 =	simm.s32 $0x40;
	[sflag:s12] =	ssyncadd.s32 $0xFFFFC000  }
0x18: {  	v7 =	vld [tilespmem:s18+$0xFFFFFFC0]  }
0x19: {  	v9 =	vld [tilespmem:s18+$0xFFFFFFD0]  }
0x1a: {  	v11 =	vld [tilespmem:s18+$0xFFFFFFE0]  }
0x1b: {  	v12 =	vld [tilespmem:s18+$0xFFFFFFF0]  }
0x1c: {  	v13 =	vld [tilespmem:s18+$0x0]  }
0x1d: {  	v15 =	vld [tilespmem:s18+$0x10]  }
0x1e: {  	v16 =	vld [tilespmem:s18+$0x20];
	_ =	sdelay $0x1  }
0x1f: {  	v17 =	vimm.f32 $+Inf;
	s19 =	simm.s32 $0xC0;
	v18 =	vld [tilespmem:s18+$0x30]  }
0x20: {  	v5 =	vimm.s32 $0x0;
	v27 =	vld [tilespmem:s19+$0xFFFFFFC0];
	vm0 =	vlt.f32 v7, v17;
	vm1 =	vlt.f32 v9, v17  }
0x21: {  	v6 =	vld [tilespmem:s19+$0xFFFFFFD0];
	vm2 =	vlt.f32 v11, v17;
	vm3 =	vlt.f32 v12, v17;
	vm4 =	vlt.f32 v13, v17  }
0x22: {  	v28 =	vld [tilespmem:s19+$0xFFFFFFE0];
	vm5 =	vlt.f32 v15, v17;
	vm6 =	vlt.f32 v16, v17;
	v8 =	vsel vm0, v7, v17  }
0x23: {  	v21 =	vld [tilespmem:s19+$0x0];
	v10 =	vsel vm0, s2, v5;
	v9 =	vsel vm1, v9, v17;
	v11 =	vsel vm2, v11, v17  }
0x24: {  	v14 =	vld [tilespmem:s19+$0x10];
	v12 =	vsel vm3, v12, v17;
	v13 =	vsel vm4, v13, v17;
	vm0 =	vlt.f32 v18, v17  }
0x25: {  	v7 =	vld [tilespmem:s19+$0xFFFFFFF0];
	v15 =	vsel vm5, v15, v17;
	v16 =	vsel vm6, v16, v17;
	v19 =	vsel vm2, s2, v5  }
0x26: {  	s20 =	simm.s32 $0x140;
	v25 =	vld [tilespmem:s19+$0x20];
	v20 =	vsel vm3, s2, v5;
	v22 =	vsel vm4, s2, v5;
	v23 =	vsel vm5, s2, v5  }
0x27: {  	s21 =	simm.s32 $0x2;
	s18 =	simm.s32 $0x1;
	v26 =	vld [tilespmem:s19+$0x30];
	v24 =	vsel vm6, s2, v5;
	s19 =	simm.s32 $0x0;
	v17 =	vsel vm0, v18, v17;
	v18 =	vsel vm1, s2, v5  }
.LBB2_2:
0x28: {  	v29 =	vld [tilespmem:s20+$0xFFFFFFC0];
	p0 =	sne.s32 s21, $0x7F;
	vm1 =	vlt.f32 v27, v8;
	vm2 =	vlt.f32 v6, v9;
	v5 =	vsel vm0, s19, v5;
	s19 =	smov.u32 s18;
	s18 =	smov.u32 s21  }
0x29: {  	v8 =	vsel vm1, v27, v8;
	v10 =	vsel vm1, s19, v10;
	v9 =	vsel vm2, v6, v9;
	v6 =	vld [tilespmem:s20+$0xFFFFFFD0]  }
0x2a: {  	vm3 =	vlt.f32 v7, v12;
	vm1 =	vlt.f32 v28, v11;
	vm4 =	vlt.f32 v21, v13;
	v30 =	vld [tilespmem:s20+$0xFFFFFFE0]  }
.Ltmp0:
0x2b: {  	v12 =	vsel vm3, v7, v12;
	v11 =	vsel vm1, v28, v11;
	v13 =	vsel vm4, v21, v13;
	v7 =	vld [tilespmem:s20+$0xFFFFFFF0];
	(pc) =	sbr.rel @p0 .LBB2_2-.Ltmp0, $4  }
0x2c: {  	vm5 =	vlt.f32 v14, v15;
	vm6 =	vlt.f32 v25, v16;
	v21 =	vld [tilespmem:s20+$0x0];
	vm0 =	vlt.f32 v26, v17  }
0x2d: {  	v15 =	vsel vm5, v14, v15;
	v16 =	vsel vm6, v25, v16;
	v14 =	vld [tilespmem:s20+$0x10];
	v17 =	vsel vm0, v26, v17;
	v27 =	vmovc v29  }
0x2e: {  	v18 =	vsel vm2, s19, v18;
	v20 =	vsel vm3, s19, v20;
	v19 =	vsel vm1, s19, v19;
	v25 =	vld [tilespmem:s20+$0x20]  }
0x2f: {  	s21 =	sadd.s32 $0x1, s21;
	v22 =	vsel vm4, s19, v22;
	v23 =	vsel vm5, s19, v23;
	v24 =	vsel vm6, s19, v24;
	v26 =	vld [tilespmem:s20+$0x30];
	s20 =	sadd.s32 $0x80, s20;
	v28 =	vmovc v30  }
0x30: {  	_ =	swait.ge [sflag:s13], $0x3800  }
0x31: {  	[sflag:s13] =	ssyncset.done $0x0  }
0x32: {  	s20 =	simm.s32 $0x0;
	[sflag:s13] =	ssyncadd.s32 $0xFFFFC800  }
0x33: {  	v29 =	vld [tilespmem:s20+$0x4000]  }
0x34: {  	vm1 =	vlt.f32 v27, v8;
	vm2 =	vlt.f32 v6, v9;
	v5 =	vsel vm0, s19, v5;
	v32 =	vld [tilespmem:s20+$0x4010]  }
0x35: {  	vm0 =	vlt.f32 v28, v11;
	v30 =	vsel vm1, v27, v8;
	v10 =	vsel vm1, s18, v10;
	v33 =	vld [tilespmem:s20+$0x4020]  }
0x36: {  	v31 =	vsel vm2, v6, v9;
	vm1 =	vlt.f32 v7, v12;
	vm3 =	vlt.f32 v21, v13;
	v35 =	vld [tilespmem:s20+$0x4030]  }
0x37: {  	v28 =	vsel vm0, v28, v11;
	v40 =	vsel vm2, s18, v18;
	v41 =	vsel vm0, s18, v19;
	v39 =	vld [tilespmem:s20+$0x4050]  }
0x38: {  	v34 =	vsel vm1, v7, v12;
	v21 =	vsel vm3, v21, v13;
	vm4 =	vlt.f32 v14, v15;
	v19 =	vld [tilespmem:s20+$0x4060]  }
0x39: {  	v42 =	vsel vm1, s18, v20;
	v7 =	vsel vm3, s18, v22;
	vm5 =	vlt.f32 v25, v16;
	v20 =	vld [tilespmem:s20+$0x4070]  }
0x3a: {  	v36 =	vld [tilespmem:s20+$0x4040];
	v37 =	vsel vm4, v14, v15;
	v8 =	vsel vm4, s18, v23;
	vm6 =	vlt.f32 v26, v17  }
0x3b: {  	s19 =	simm.s32 $0x80;
	v25 =	vsel vm5, v25, v16;
	v9 =	vsel vm5, s18, v24;
	v38 =	vsel vm6, v26, v17  }
0x3c: {  	v27 =	vld [tilespmem:s19+$0x4000];
	v5 =	vsel vm6, s18, v5;
	vm0 =	vlt.f32 v29, v30;
	vm4 =	vlt.f32 v32, v31  }
0x3d: {  	v6 =	vld [tilespmem:s19+$0x4010];
	vm5 =	vlt.f32 v33, v28;
	vm15 =	vlt.f32 v35, v34;
	vm2 =	vlt.f32 v39, v37  }
0x3e: {  	s18 =	simm.s32 $0x80;
	v26 =	vld [tilespmem:s19+$0x4020];
	vm3 =	vlt.f32 v19, v25;
	vm1 =	vlt.f32 v20, v38;
	v11 =	vsel vm0, v29, v30  }
0x3f: {  	v24 =	vld [tilespmem:s19+$0x4040];
	v13 =	vsel vm0, s18, v10;
	v12 =	vsel vm4, v32, v31;
	vm0 =	vlt.f32 v36, v21  }
0x40: {  	v17 =	vld [tilespmem:s19+$0x4050];
	v14 =	vsel vm5, v33, v28;
	v15 =	vsel vm15, v35, v34;
	v18 =	vsel vm2, v39, v37  }
0x41: {  	v10 =	vld [tilespmem:s19+$0x4030];
	v19 =	vsel vm3, v19, v25;
	v20 =	vsel vm1, v20, v38;
	v22 =	vsel vm5, s18, v41  }
0x42: {  	s20 =	simm.s32 $0x400;
	v25 =	vld [tilespmem:s19+$0x4060];
	v23 =	vsel vm15, s18, v42;
	v16 =	vsel vm0, v36, v21;
	v21 =	vsel vm4, s18, v40  }
.LBB2_4:
0x43: {  	p0 =	sne.s32 s20, $0xDE00;
	v28 =	vld [tilespmem:s19+$0x4070];
	s19 =	sshra.s32 s20, $0x2;
	v7 =	vsel vm0, s18, v7;
	v8 =	vsel vm2, s18, v8;
	v9 =	vsel vm3, s18, v9;
	v29 =	vmovc v26  }
0x44: {  	vm0 =	vlt.f32 v27, v11;
	vm4 =	vlt.f32 v6, v12;
	v5 =	vsel vm1, s18, v5;
	s18 =	sadd.s32 $0x1, s18;
	v30 =	vld [tilespmem:s19+$0x4000]  }
0x45: {  	v11 =	vsel vm0, v27, v11;
	v13 =	vsel vm0, s18, v13;
	v12 =	vsel vm4, v6, v12;
	v6 =	vld [tilespmem:s19+$0x4010]  }
.Ltmp1:
0x46: {  	vm5 =	vlt.f32 v29, v14;
	vm6 =	vlt.f32 v10, v15;
	vm0 =	vlt.f32 v24, v16;
	v26 =	vld [tilespmem:s19+$0x4020];
	(pc) =	sbr.rel @p0 .LBB2_4-.Ltmp1, $4  }
0x47: {  	v14 =	vsel vm5, v29, v14;
	v15 =	vsel vm6, v10, v15;
	v16 =	vsel vm0, v24, v16;
	v10 =	vld [tilespmem:s19+$0x4030]  }
0x48: {  	vm2 =	vlt.f32 v17, v18;
	vm3 =	vlt.f32 v25, v19;
	v24 =	vld [tilespmem:s19+$0x4040];
	vm1 =	vlt.f32 v28, v20  }
0x49: {  	v18 =	vsel vm2, v17, v18;
	v19 =	vsel vm3, v25, v19;
	v17 =	vld [tilespmem:s19+$0x4050];
	v20 =	vsel vm1, v28, v20;
	v27 =	vmovc v30  }
0x4a: {  	s20 =	sadd.s32 $0x200, s20;
	v21 =	vsel vm4, s18, v21;
	v22 =	vsel vm5, s18, v22;
	v23 =	vsel vm6, s18, v23;
	v25 =	vld [tilespmem:s19+$0x4060]  }
0x4b: {  	v28 =	vld [tilespmem:s19+$0x4070];
	_ =	swait.ge [sflag:s14], $0x800  }
0x4c: {  	[sflag:s14] =	ssyncset.done $0x0  }
0x4d: {  	s31 =	simm.s32 $0x0;
	[sflag:s14] =	ssyncadd.s32 $0xFFFFF800  }
0x4e: {  	v7 =	vsel vm0, s18, v7;
	v8 =	vsel vm2, s18, v8;
	v9 =	vsel vm3, s18, v9;
	v29 =	vld [tilespmem:s31+$0x7800]  }
0x4f: {  	vm0 =	vlt.f32 v27, v11;
	vm2 =	vlt.f32 v6, v12;
	v5 =	vsel vm1, s18, v5;
	s20 =	sadd.s32 $0x1, s18;
	v32 =	vld [tilespmem:s31+$0x7810]  }
0x50: {  	v30 =	vsel vm0, v27, v11;
	v31 =	vsel vm0, s20, v13;
	vm3 =	vlt.f32 v24, v16;
	v33 =	vld [tilespmem:s31+$0x7820]  }
0x51: {  	v6 =	vsel vm2, v6, v12;
	vm0 =	vlt.f32 v26, v14;
	v16 =	vsel vm3, v24, v16;
	v24 =	vld [tilespmem:s31+$0x7830]  }
0x52: {  	vm1 =	vlt.f32 v10, v15;
	v38 =	vsel vm2, s20, v21;
	v26 =	vsel vm0, v26, v14;
	v37 =	vld [tilespmem:s31+$0x7850]  }
0x53: {  	v10 =	vsel vm1, v10, v15;
	v39 =	vsel vm0, s20, v22;
	v40 =	vsel vm1, s20, v23;
	v41 =	vld [tilespmem:s31+$0x7860]  }
0x54: {  	vm4 =	vlt.f32 v17, v18;
	v11 =	vsel vm3, s20, v7;
	v7 =	vld [tilespmem:s31+$0x7870];
	vm5 =	vlt.f32 v25, v19  }
0x55: {  	v34 =	vld [tilespmem:s31+$0x7840];
	v35 =	vsel vm4, v17, v18;
	v12 =	vsel vm4, s20, v8;
	vm6 =	vlt.f32 v28, v20  }
0x56: {  	s18 =	simm.s32 $0x80;
	v36 =	vsel vm5, v25, v19;
	v13 =	vsel vm5, s20, v9;
	v28 =	vsel vm6, v28, v20  }
0x57: {  	v27 =	vld [tilespmem:s18+$0x7800];
	v14 =	vsel vm6, s20, v5;
	vm0 =	vlt.f32 v29, v30;
	vm4 =	vlt.f32 v32, v6  }
0x58: {  	v15 =	vld [tilespmem:s18+$0x7810];
	vm5 =	vlt.f32 v33, v26;
	vm15 =	vlt.f32 v24, v10;
	vm2 =	vlt.f32 v37, v35  }
0x59: {  	s19 =	simm.s32 $0xF0;
	v25 =	vld [tilespmem:s18+$0x7820];
	vm3 =	vlt.f32 v41, v36;
	vm1 =	vlt.f32 v7, v28;
	v17 =	vsel vm0, v29, v30  }
0x5a: {  	v21 =	vld [tilespmem:s18+$0x7840];
	v19 =	vsel vm0, s19, v31;
	v18 =	vsel vm4, v32, v6;
	vm0 =	vlt.f32 v34, v16  }
0x5b: {  	v8 =	vld [tilespmem:s18+$0x7850];
	v22 =	vsel vm5, v33, v26;
	v23 =	vsel vm15, v24, v10;
	v9 =	vsel vm2, v37, v35  }
0x5c: {  	v20 =	vld [tilespmem:s18+$0x7830];
	v6 =	vsel vm3, v41, v36;
	v5 =	vsel vm1, v7, v28;
	v26 =	vsel vm4, s19, v38  }
0x5d: {  	s20 =	simm.s32 $0x400;
	v7 =	vld [tilespmem:s18+$0x7860];
	v24 =	vsel vm5, s19, v39;
	v10 =	vsel vm15, s19, v40;
	v16 =	vsel vm0, v34, v16  }
.LBB2_6:
0x5e: {  	p0 =	sne.s32 s20, $0x1E00;
	v28 =	vld [tilespmem:s18+$0x7870];
	s18 =	sshra.s32 s20, $0x2;
	v11 =	vsel vm0, s19, v11;
	v12 =	vsel vm2, s19, v12;
	v13 =	vsel vm3, s19, v13;
	v29 =	vmovc v25  }
0x5f: {  	vm0 =	vlt.f32 v27, v17;
	vm4 =	vlt.f32 v15, v18;
	v14 =	vsel vm1, s19, v14;
	s19 =	sadd.s32 $0x1, s19;
	v30 =	vld [tilespmem:s18+$0x7800]  }
0x60: {  	v17 =	vsel vm0, v27, v17;
	v19 =	vsel vm0, s19, v19;
	v18 =	vsel vm4, v15, v18;
	v15 =	vld [tilespmem:s18+$0x7810]  }
.Ltmp2:
0x61: {  	vm5 =	vlt.f32 v29, v22;
	vm6 =	vlt.f32 v20, v23;
	vm0 =	vlt.f32 v21, v16;
	v25 =	vld [tilespmem:s18+$0x7820];
	(pc) =	sbr.rel @p0 .LBB2_6-.Ltmp2, $4  }
0x62: {  	v22 =	vsel vm5, v29, v22;
	v23 =	vsel vm6, v20, v23;
	v16 =	vsel vm0, v21, v16;
	v20 =	vld [tilespmem:s18+$0x7830]  }
0x63: {  	vm2 =	vlt.f32 v8, v9;
	vm3 =	vlt.f32 v7, v6;
	v21 =	vld [tilespmem:s18+$0x7840];
	vm1 =	vlt.f32 v28, v5  }
0x64: {  	v9 =	vsel vm2, v8, v9;
	v6 =	vsel vm3, v7, v6;
	v8 =	vld [tilespmem:s18+$0x7850];
	v5 =	vsel vm1, v28, v5;
	v27 =	vmovc v30  }
0x65: {  	s20 =	sadd.s32 $0x200, s20;
	v26 =	vsel vm4, s19, v26;
	v24 =	vsel vm5, s19, v24;
	v10 =	vsel vm6, s19, v10;
	v7 =	vld [tilespmem:s18+$0x7860]  }
0x66: {  	v11 =	vsel vm0, s19, v11;
	v12 =	vsel vm2, s19, v12;
	v13 =	vsel vm3, s19, v13  }
0x67: {  	vm9 =	vlt.f32 v27, v17;
	vm10 =	vlt.f32 v15, v18;
	v14 =	vsel vm1, s19, v14  }
0x68: {  	vm11 =	vlt.f32 v25, v22;
	v49 =	vor.u32 $0x10, v0;
	v52 =	vor.u32 $0x20, v0  }
0x69: {  	s31 =	sadd.s32 $0x1, s19;
	v56 =	vor.u32 $0x30, v0;
	v57 =	vor.u32 $0x40, v0;
	v59 =	vor.u32 $0x50, v0  }
0x6a: {  	v17 =	vsel vm9, v27, v17;
	v19 =	vsel vm9, s31, v19;
	v48 =	vsel vm10, s31, v26  }
0x6b: {  	v47 =	vsel vm11, v25, v22;
	v19 =	vshll.u32 v19, $0x7;
	v22 =	vshll.u32 v48, $0x7  }
0x6c: {  	v15 =	vsel vm10, v15, v18;
	v19 =	vor.u32 v0, v19;
	v50 =	vor.u32 v49, v22  }
0x6d: {  	vm4 =	vlt.f32 v20, v23;
	vm13 =	veq.f32 v15, v17;
	vm5 =	vlt.s32 v50, v19  }
0x6e: {  	v51 =	vsel vm11, s31, v24;
	vm14 =	vlt.f32 v15, v17;
	vm2 =	vmand vm13, vm5  }
0x6f: {  	vm12 =	vlt.f32 v21, v16;
	v22 =	vshll.u32 v51, $0x7;
	vm1 =	vmor vm14, vm2  }
0x70: {  	v55 =	vor.u32 v52, v22;
	v15 =	vsel vm1, v15, v17;
	v54 =	vsel vm1, v50, v19  }
0x71: {  	v20 =	vsel vm4, v20, v23;
	vm15 =	veq.f32 v47, v15;
	vm8 =	vlt.s32 v55, v54  }
0x72: {  	v10 =	vsel vm4, s31, v10;
	vm9 =	vlt.f32 v47, v15;
	vm2 =	vmand vm15, vm8  }
0x73: {  	v16 =	vsel vm12, v21, v16;
	v10 =	vshll.u32 v10, $0x7;
	vm2 =	vmor vm9, vm2  }
0x74: {  	v10 =	vor.u32 v56, v10;
	v15 =	vsel vm2, v47, v15;
	v17 =	vsel vm2, v55, v54  }
0x75: {  	vm0 =	vlt.f32 v8, v9;
	vm10 =	veq.f32 v20, v15;
	vm11 =	vlt.s32 v10, v17  }
0x76: {  	v11 =	vsel vm12, s31, v11;
	vm12 =	vlt.f32 v20, v15;
	vm4 =	vmand vm10, vm11  }
0x77: {  	v11 =	vshll.u32 v11, $0x7;
	v8 =	vsel vm0, v8, v9;
	vm3 =	vmor vm12, vm4  }
0x78: {  	v11 =	vor.u32 v57, v11;
	v15 =	vsel vm3, v20, v15;
	v10 =	vsel vm3, v10, v17  }
0x79: {  	v58 =	vsel vm0, s31, v12;
	vm13 =	veq.f32 v16, v15;
	vm14 =	vlt.s32 v11, v10  }
0x7a: {  	v9 =	vshll.u32 v58, $0x7;
	vm15 =	vlt.f32 v16, v15;
	vm3 =	vmand vm13, vm14  }
0x7b: {  	v60 =	vor.u32 $0x60, v0;
	v9 =	vor.u32 v59, v9;
	vm0 =	vmor vm15, vm3  }
0x7c: {  	v53 =	vld [tilespmem:s18+$0x7870];
	vm1 =	vlt.f32 v7, v6;
	v15 =	vsel vm0, v16, v15;
	v10 =	vsel vm0, v11, v10  }
0x7d: {  	v6 =	vsel vm1, v7, v6;
	vm6 =	veq.f32 v8, v15;
	vm7 =	vlt.s32 v9, v10  }
0x7e: {  	v7 =	vsel vm1, s31, v13;
	vm8 =	vlt.f32 v8, v15;
	vm0 =	vmand vm6, vm7  }
0x7f: {  	v62 =	vor.u32 $0x70, v0;
	v7 =	vshll.u32 v7, $0x7;
	vm0 =	vmor vm8, vm0  }
0x80: {  	v7 =	vor.u32 v60, v7;
	v8 =	vsel vm0, v8, v15;
	v9 =	vsel vm0, v9, v10  }
0x81: {  	vm2 =	vlt.f32 v53, v5;
	vm9 =	veq.f32 v6, v8;
	vm10 =	vlt.s32 v7, v9  }
0x82: {  	v61 =	vsel vm2, s31, v14;
	vm11 =	vlt.f32 v6, v8;
	vm0 =	vmand vm9, vm10  }
0x83: {  	v5 =	vsel vm2, v53, v5;
	v10 =	vshll.u32 v61, $0x7;
	vm0 =	vmor vm11, vm0  }
0x84: {  	v63 =	vor.u32 v62, v10;
	v6 =	vsel vm0, v6, v8;
	v7 =	vsel vm0, v7, v9  }
0x85: {  	vm12 =	veq.f32 v5, v6;
	vm13 =	vlt.s32 v63, v7  }
0x86: {  	vm14 =	vlt.f32 v5, v6;
	vm0 =	vmand vm12, vm13  }
0x87: {  	vm0 =	vmor vm14, vm0  }
0x88: {  	v5 =	vsel vm0, v5, v6;
	v6 =	vsel vm0, v63, v7  }
0x89: {  	v7 =	vperm.xlane v5, v1;
	v8 =	vperm.xlane v6, v1;
	_ =	sdelay $0x1  }
0x8a: {  	vm15 =	veq.f32 v7, v5;
	vm4 =	vlt.s32 v8, v6  }
0x8b: {  	vm5 =	vlt.f32 v7, v5;
	vm0 =	vmand vm15, vm4  }
0x8c: {  	vm0 =	vmor vm5, vm0  }
0x8d: {  	v5 =	vsel vm0, v7, v5;
	v6 =	vsel vm0, v8, v6  }
0x8e: {  	v7 =	vperm.xlane v5, v2;
	v8 =	vperm.xlane v6, v2;
	_ =	sdelay $0x1  }
0x8f: {  	vm6 =	veq.f32 v7, v5;
	vm7 =	vlt.s32 v8, v6  }
0x90: {  	vm8 =	vlt.f32 v7, v5;
	vm0 =	vmand vm6, vm7  }
0x91: {  	vm0 =	vmor vm8, vm0  }
0x92: {  	v5 =	vsel vm0, v7, v5;
	v6 =	vsel vm0, v8, v6  }
0x93: {  	v7 =	vperm.xlane v5, v3;
	v8 =	vperm.xlane v6, v3;
	_ =	sdelay $0x1  }
0x94: {  	vm9 =	veq.f32 v7, v5;
	vm10 =	vlt.s32 v8, v6  }
0x95: {  	vm11 =	vlt.f32 v7, v5;
	vm0 =	vmand vm9, vm10  }
0x96: {  	vm0 =	vmor vm11, vm0  }
0x97: {  	v5 =	vsel vm0, v7, v5;
	v6 =	vsel vm0, v8, v6  }
0x98: {  	v7 =	vperm.xlane v5, v4;
	v8 =	vperm.xlane v6, v4;
	_ =	sdelay $0x1  }
0x99: {  	vm12 =	veq.f32 v7, v5;
	vm13 =	vlt.s32 v8, v6  }
0x9a: {  	vm14 =	vlt.f32 v7, v5;
	vm0 =	vmand vm12, vm13  }
0x9b: {  	vm0 =	vmor vm14, vm0  }
0x9c: {  	v5 =	vsel vm0, v8, v6  }
0x9d: {  	v5 =	vcvt.s32.f32 v5  }
0x9e: {  	s17 =	sadd.s32 $0x1, s17;
	vm15 =	vmmov $0x1  }
0x9f: {  	p0 =	sne.s32 s17, s7;
	v5 =	vnsel vm15, $0x0, v5  }
.Ltmp3:
0xa0: {  	[tilespmem:$0x8000] =	vst v5;
	(pc) =	sbr.rel @p0 .LBB2_1-.Ltmp3, $4  }
0xa1: {  	[hbm4b:s6+s2] =	stream.linear.scatter [tilespmem:s15], [sflag:$0x4], $0x80, $0x38;
	[tilespmem:$0x8080] =	vst v63  }
0xa2: {  	_ =	swait.ge [sflag:s16], $0x80  }
0xa3: {  	[sflag:s16] =	ssyncset.done $0x0  }
0xa4: {  	[sflag:s16] =	ssyncadd.s32 $0xFFFFFF80  }
0xa5: {  	_ =	sfence.sel $0x180000  }
0xa6: {  	[bflag:$0x0] =	sbarrier.arrive $0xFFFF  }
0xa7: {  	p0 =	sne.s32 s1, $0x0;
	_ =	strace $0x90000047  }
0xa8: {  	s0 =	sadd.s32 @!p0 $0x100000, s0;
	[bflag:$0x2] =	sbarrier.arrive $0xFFFF  }
0xa9: {  	[sflag:s0] =	ssyncadd.tile.s32 @!p0 $0x1;
	_ =	shalt  }
.Lfunc_end2:
_tile_overlayer_lowered:
.L_overlay_start_2:
0xaa: {  	(tag) =	ssettag $0x2  }
0xab: {  	s0 =	rddreg [dreg:$0x0];
	s2 =	stileid.u32  }
0xac: {  	s1 =	rddreg [dreg:$0x1];
	p0 =	sne.s32 s2, $0x0  }
0xad: {  	s3 =	rddreg [dreg:$0x2];
	[bflag:$0x3] =	sbarrier.arrive $0xFFFF;
	s2 =	simm.s32 @!p0 $0x1C04  }
0xae: {  	[timem:s3], [sflag:s2] =	dma.local @!p0 [hbm:s0], s1  }
0xaf: {  	s0 =	simm.s32 @!p0 $0x4  }
0xb0: {  	_ =	swait.ge @!p0 [sflag:s0], s1  }
0xb1: {  	s1 =	ssub.s32 @!p0 $0x0, s1;
	[sflag:s0] =	ssyncset.done @!p0 $0x0  }
0xb2: {  	[sflag:s0] =	ssyncadd.s32 @!p0 s1  }
0xb3: {  	[bflag:$0x3] =	sbarrier.arrive $0xFFFF  }
0xb4: {  	_ =	shalt  }

</sc_bundles>
